<compile_context>
chip_gen: v7x
topology: tpu7x:2x2x1
jax: 0.10.2.dev20260603
libtpu: 0.0.44.dev20260713+nightly
codegen_flags: <defaults>
</compile_context>

<pallas_src>
import jax
import jax.numpy as jnp
from jax import lax
from jax.experimental import pallas as pl
from jax.experimental.pallas import tpu as pltpu
from jax.experimental.pallas import tpu_sc as plsc

N = 10000
E = 320000
D = 128
DH = D // 2

NC = 2
NS = 16
NW = NC * NS
CH = 128
NCH = 79
E_PAD = NW * NCH * CH
N_PAD = 10080
RPS = N_PAD // NS
HALF = RPS // 2
CROWS = 80
CRPS = CROWS // NS
CWIN = 6


def _sc_body(x0_hbm, x1_hbm, src_hbm, dst_hbm, out_hbm,
             src_v, dst_v, rows_v, stage_v, zero_v, cnt_v, cntloc,
             idx80, acc_sh, cnt_sh, gsem):
    c = lax.axis_index("c")
    s = lax.axis_index("s")
    wid = s * NC + c
    base = s * RPS

    zeros16 = jnp.zeros((16,), jnp.float32)
    ones16 = jnp.ones((16,), jnp.float32)
    iota16 = jnp.arange(16, dtype=jnp.int32)

    def zrow(i, carry):
        for v in range(DH // 16):
            zero_v[i, pl.ds(v * 16, 16)] = zeros16
        return carry
    lax.fori_loop(0, HALF, zrow, 0)

    def zcnt(i, carry):
        for v in range(CH // 16):
            cntloc[i, pl.ds(v * 16, 16)] = zeros16
        return carry
    lax.fori_loop(0, CROWS, zcnt, 0)

    for i in range(CROWS // 16):
        idx80[pl.ds(i * 16, 16)] = iota16 + 16 * i

    pltpu.sync_copy(zero_v, acc_sh.at[pl.ds(base, HALF)])
    pltpu.sync_copy(zero_v, acc_sh.at[pl.ds(base + HALF, HALF)])
    pltpu.sync_copy(cntloc.at[pl.ds(0, CRPS)],
                    cnt_sh.at[pl.ds(s * CRPS, CRPS)])

    pltpu.sync_copy(src_hbm.at[wid], src_v)
    pltpu.sync_copy(dst_hbm.at[pl.ds(s * NC, NC)], dst_v)

    for h in range(2):
        xh_hbm = (x0_hbm, x1_hbm)[h]
        if h == 1:
            pltpu.sync_copy(zero_v, acc_sh.at[pl.ds(base, HALF)])
            pltpu.sync_copy(zero_v, acc_sh.at[pl.ds(base + HALF, HALF)])
        plsc.subcore_barrier()

        def edge_body(j, carry, h=h, xh_hbm=xh_hbm):
            pltpu.async_copy(xh_hbm.at[src_v.at[j]], rows_v, gsem).wait()
            pltpu.sync_copy(rows_v, acc_sh.at[dst_v.at[c, j]], add=True)
            if h == 0:
                for k in range(NC):
                    for v in range(CH // 16):
                        dvec = dst_v[k, j, pl.ds(v * 16, 16)]
                        plsc.addupdate_scatter(
                            cntloc, [dvec >> 7, dvec & (CH - 1)], ones16)
            return carry
        lax.fori_loop(0, NCH, edge_body, 0)

        if h == 0:
            pltpu.sync_copy(cntloc, cnt_sh.at[idx80], add=True)

        plsc.subcore_barrier()

        if h == 0:
            pltpu.sync_copy(cnt_sh.at[pl.ds((s * RPS) // CH, CWIN)], cnt_v)

        for q in range(2):
            rbase = base + q * HALF
            pltpu.sync_copy(acc_sh.at[pl.ds(rbase, HALF)], stage_v)

            off = s * RPS - CH * ((s * RPS) // CH)

            def div_body(r, carry, q=q, off=off):
                g = off + q * HALF + r
                cvec = plsc.load_gather(
                    cnt_v, [jnp.full((16,), g >> 7, jnp.int32),
                            jnp.full((16,), g & (CH - 1), jnp.int32)])
                rvec = 1.0 / jnp.maximum(cvec, 1.0)
                for v in range(DH // 16):
                    stage_v[r, pl.ds(v * 16, 16)] = (
                        stage_v[r, pl.ds(v * 16, 16)] * rvec)
                return carry
            lax.fori_loop(0, HALF, div_body, 0)

            pltpu.sync_copy(stage_v, out_hbm.at[c, h, pl.ds(rbase, HALF)])


_sc_aggregate = pl.kernel(
    _sc_body,
    out_type=jax.ShapeDtypeStruct((NC, 2, N_PAD, DH), jnp.float32),
    mesh=plsc.VectorSubcoreMesh(core_axis_name="c", subcore_axis_name="s"),
    compiler_params=pltpu.CompilerParams(use_tc_tiling_on_sc=False,
                                         needs_layout_passes=False),
    scratch_types=[
        pltpu.VMEM((NCH, CH), jnp.int32),
        pltpu.VMEM((NC, NCH, CH), jnp.int32),
        pltpu.VMEM((CH, DH), jnp.float32),
        pltpu.VMEM((HALF, DH), jnp.float32),
        pltpu.VMEM((HALF, DH), jnp.float32),
        pltpu.VMEM((CWIN, CH), jnp.float32),
        pltpu.VMEM((CROWS, CH), jnp.float32),
        pltpu.VMEM((CROWS,), jnp.int32),
        pltpu.VMEM_SHARED((N_PAD, DH), jnp.float32),
        pltpu.VMEM_SHARED((CROWS, CH), jnp.float32),
        pltpu.SemaphoreType.DMA,
    ],
)


def _combine_body(m00_ref, m10_ref, m01_ref, m11_ref, x_ref,
                  wl_ref, wr_ref, b_ref, o_ref):
    mean = jnp.concatenate(
        [m00_ref[...] + m10_ref[...], m01_ref[...] + m11_ref[...]], axis=1)
    dn = (((1,), (1,)), ((), ()))
    acc = lax.dot_general(mean, wl_ref[...], dn,
                          preferred_element_type=jnp.float32)
    acc = acc + lax.dot_general(x_ref[...], wr_ref[...], dn,
                                preferred_element_type=jnp.float32)
    acc = acc + b_ref[...]
    o_ref[...] = jnp.maximum(acc, 0.0)


_ROWS_BLK = 1000


def _combine(m00, m10, m01, m11, x, W_l, W_r, b2):
    grid = (N // _ROWS_BLK,)
    half_spec = pl.BlockSpec((_ROWS_BLK, DH), lambda i: (i, 0))
    row_spec = pl.BlockSpec((_ROWS_BLK, D), lambda i: (i, 0))
    full_spec = pl.BlockSpec((D, D), lambda i: (0, 0))
    bias_spec = pl.BlockSpec((1, D), lambda i: (0, 0))
    return pl.pallas_call(
        _combine_body,
        grid=grid,
        in_specs=[half_spec, half_spec, half_spec, half_spec, row_spec,
                  full_spec, full_spec, bias_spec],
        out_specs=row_spec,
        out_shape=jax.ShapeDtypeStruct((N, D), jnp.float32),
    )(m00, m10, m01, m11, x, W_l, W_r, b2)


@jax.jit
def kernel(x, edge_index, W_l, W_r, b):
    src = edge_index[0]
    dst = edge_index[1]
    pad = E_PAD - E
    src_p = jnp.concatenate(
        [src, jnp.zeros((pad,), jnp.int32)]).reshape(NW, NCH, CH)
    dst_p = jnp.concatenate(
        [dst, jnp.full((pad,), N, jnp.int32)]).reshape(NW, NCH, CH)
    x0 = x[:, :DH]
    x1 = x[:, DH:]
    m = _sc_aggregate(x0, x1, src_p, dst_p)
    return _combine(m[0, 0, :N], m[1, 0, :N], m[0, 1, :N], m[1, 1, :N],
                    x, W_l, W_r, b.reshape(1, D))

# --- scband reference (transcript-rebuilt; emitter-appended) ---
"""Pipeline reference for scband-sage-net-39092792328709 (READ-ONLY COPY).

The authoritative reference and input builder live on the scoring server;
editing this copy changes nothing except your own understanding.
"""

import jax, jax.numpy as jnp
import numpy as np

N = 10000
E = 320000
D_IN = 128
D_OUT = 128


def setup_inputs(seed: int = 0) -> dict:
    key = jax.random.key(seed)
    k1, k2, k3, k4, k5 = jax.random.split(key, 5)
    x = jax.random.normal(k1, (N, D_IN), dtype=jnp.float32)
    edge_index = jax.random.randint(k2, (2, E), 0, N, dtype=jnp.int32)
    scale = 1.0 / np.sqrt(D_IN)
    W_l = jax.random.uniform(k3, (D_OUT, D_IN), dtype=jnp.float32, minval=-scale, maxval=scale)
    W_r = jax.random.uniform(k4, (D_OUT, D_IN), dtype=jnp.float32, minval=-scale, maxval=scale)
    b = jax.random.uniform(k5, (D_OUT,), dtype=jnp.float32, minval=-scale, maxval=scale)
    return {"x": x, "edge_index": edge_index, "W_l": W_l, "W_r": W_r, "b": b}


def reference(x, edge_index, W_l, W_r, b):
    # SAGEConv (mean aggregation) followed by ReLU, matching SAGE_NET.forward with active=True.
    src = edge_index[0]
    dst = edge_index[1]
    msg = jnp.take(x, src, axis=0)                      # gather source node features [E, D_IN]
    summed = jax.ops.segment_sum(msg, dst, num_segments=N)
    cnt = jax.ops.segment_sum(jnp.ones((E,), dtype=x.dtype), dst, num_segments=N)
    mean = summed / jnp.clip(cnt, 1.0, None)[:, None]   # mean aggregation over in-neighbors
    out = mean @ W_l.T + b + x @ W_r.T                  # lin_l(aggr) + lin_r(x); bias only on lin_l
    return jax.nn.relu(out)

if __name__ == "__main__":
    import jax
    _d = setup_inputs()
    print(jax.jit(kernel)(*tuple(_d.values())))

</pallas_src>

<mosaic_0001>
#map = affine_map<(d0, d1) -> (0, 0)>
#map1 = affine_map<(d0, d1) -> (0, 0, 0)>
#map2 = affine_map<(d0, d1) -> (0, 0, 0, 0)>
module attributes {stable_mosaic.version = 14 : i64} {
  func.func @_sc_body(%arg0: i32, %arg1: i32, %arg2: memref<10000x64xf32, #tpu.memory_space<hbm>>, %arg3: memref<10000x64xf32, #tpu.memory_space<hbm>>, %arg4: memref<32x79x128xi32, #tpu.memory_space<hbm>>, %arg5: memref<32x79x128xi32, #tpu.memory_space<hbm>>, %arg6: memref<2x2x10080x64xf32, #tpu.memory_space<hbm>>, %arg7: memref<79x128xi32, #tpu.memory_space<vmem>>, %arg8: memref<2x79x128xi32, #tpu.memory_space<vmem>>, %arg9: memref<128x64xf32, #tpu.memory_space<vmem>>, %arg10: memref<315x64xf32, #tpu.memory_space<vmem>>, %arg11: memref<315x64xf32, #tpu.memory_space<vmem>>, %arg12: memref<6x128xf32, #tpu.memory_space<vmem>>, %arg13: memref<80x128xf32, #tpu.memory_space<vmem>>, %arg14: memref<80xi32, #tpu.memory_space<vmem>>, %arg15: memref<10080x64xf32, #tpu.memory_space<vmem_shared>>, %arg16: memref<80x128xf32, #tpu.memory_space<vmem_shared>>, %arg17: memref<!tpu.dma_semaphore, #tpu.memory_space<semaphore_mem>>) attributes {dimension_semantics = [#tpu.dimension_semantics<core_parallel>, #tpu.dimension_semantics<subcore_parallel>], iteration_bounds = array<i64: 2, 16>, scalar_prefetch = 0 : i64, scratch_operands = 11 : i64, tpu.core_type = #tpu.core_type<sc_vector_subcore>, window_params = [{transform_indices = #map}, {transform_indices = #map}, {transform_indices = #map1}, {transform_indices = #map1}, {transform_indices = #map2}]} {
    %mul3A = arith.constant 2 : i32
    %mul3A_0 = arith.muli %arg1, %mul3A : i32
    %add3A = arith.addi %mul3A_0, %arg0 : i32
    %mul3A_1 = arith.constant 630 : i32
    %mul3A_2 = arith.muli %arg1, %mul3A_1 : i32
    %broadcast_in_dim3A = arith.constant 0.000000e+00 : f32
    %broadcast_in_dim3A_3 = vector.broadcast %broadcast_in_dim3A : f32 to vector<16xf32>
    %broadcast_in_dim3A_4 = arith.constant 1.000000e+00 : f32
    %broadcast_in_dim3A_5 = vector.broadcast %broadcast_in_dim3A_4 : f32 to vector<16xf32>
    %iota3A = tpu.iota {dimensions = array<i32: 0>} : vector<16xi32>
    %scan3A = arith.constant 0 : i32
    %scan3A_6 = arith.constant 0 : i32
    %scan3A_7 = arith.constant 315 : i32
    %scan3A_8 = arith.addi %scan3A_6, %scan3A_7 : i32
    %scan3A_9 = arith.constant 1 : i32
    scf.for %scan3A_241 = %scan3A_6 to %scan3A_8 step %scan3A_9  : i32 {
      %swap3A_242 = arith.index_cast %scan3A_241 : i32 to index
      %swap3A_243 = arith.constant 0 : index
      %swap3A_244 = tpu.vector_load %arg11[%swap3A_242, %swap3A_243] {strides = array<i32>} : memref<315x64xf32, #tpu.memory_space<vmem>>, vector<16xf32>,
      tpu.vector_store %arg11[%swap3A_242, %swap3A_243], %broadcast_in_dim3A_3 {strides = array<i32>} : memref<315x64xf32, #tpu.memory_space<vmem>>, vector<16xf32>,
      %swap3A_245 = arith.index_cast %scan3A_241 : i32 to index
      %swap3A_246 = arith.constant 16 : index
      %swap3A_247 = tpu.vector_load %arg11[%swap3A_245, %swap3A_246] {strides = array<i32>} : memref<315x64xf32, #tpu.memory_space<vmem>>, vector<16xf32>,
      tpu.vector_store %arg11[%swap3A_245, %swap3A_246], %broadcast_in_dim3A_3 {strides = array<i32>} : memref<315x64xf32, #tpu.memory_space<vmem>>, vector<16xf32>,
      %swap3A_248 = arith.index_cast %scan3A_241 : i32 to index
      %swap3A_249 = arith.constant 32 : index
      %swap3A_250 = tpu.vector_load %arg11[%swap3A_248, %swap3A_249] {strides = array<i32>} : memref<315x64xf32, #tpu.memory_space<vmem>>, vector<16xf32>,
      tpu.vector_store %arg11[%swap3A_248, %swap3A_249], %broadcast_in_dim3A_3 {strides = array<i32>} : memref<315x64xf32, #tpu.memory_space<vmem>>, vector<16xf32>,
      %swap3A_251 = arith.index_cast %scan3A_241 : i32 to index
      %swap3A_252 = arith.constant 48 : index
      %swap3A_253 = tpu.vector_load %arg11[%swap3A_251, %swap3A_252] {strides = array<i32>} : memref<315x64xf32, #tpu.memory_space<vmem>>, vector<16xf32>,
      tpu.vector_store %arg11[%swap3A_251, %swap3A_252], %broadcast_in_dim3A_3 {strides = array<i32>} : memref<315x64xf32, #tpu.memory_space<vmem>>, vector<16xf32>,
    }
    %scan3A_10 = arith.constant 315 : i32
    %scan3A_11 = arith.constant 0 : i32
    %scan3A_12 = arith.constant 0 : i32
    %scan3A_13 = arith.constant 80 : i32
    %scan3A_14 = arith.addi %scan3A_12, %scan3A_13 : i32
    %scan3A_15 = arith.constant 1 : i32
    scf.for %scan3A_241 = %scan3A_12 to %scan3A_14 step %scan3A_15  : i32 {
      %swap3A_242 = arith.index_cast %scan3A_241 : i32 to index
      %swap3A_243 = arith.constant 0 : index
      %swap3A_244 = tpu.vector_load %arg13[%swap3A_242, %swap3A_243] {strides = array<i32>} : memref<80x128xf32, #tpu.memory_space<vmem>>, vector<16xf32>,
      tpu.vector_store %arg13[%swap3A_242, %swap3A_243], %broadcast_in_dim3A_3 {strides = array<i32>} : memref<80x128xf32, #tpu.memory_space<vmem>>, vector<16xf32>,
      %swap3A_245 = arith.index_cast %scan3A_241 : i32 to index
      %swap3A_246 = arith.constant 16 : index
      %swap3A_247 = tpu.vector_load %arg13[%swap3A_245, %swap3A_246] {strides = array<i32>} : memref<80x128xf32, #tpu.memory_space<vmem>>, vector<16xf32>,
      tpu.vector_store %arg13[%swap3A_245, %swap3A_246], %broadcast_in_dim3A_3 {strides = array<i32>} : memref<80x128xf32, #tpu.memory_space<vmem>>, vector<16xf32>,
      %swap3A_248 = arith.index_cast %scan3A_241 : i32 to index
      %swap3A_249 = arith.constant 32 : index
      %swap3A_250 = tpu.vector_load %arg13[%swap3A_248, %swap3A_249] {strides = array<i32>} : memref<80x128xf32, #tpu.memory_space<vmem>>, vector<16xf32>,
      tpu.vector_store %arg13[%swap3A_248, %swap3A_249], %broadcast_in_dim3A_3 {strides = array<i32>} : memref<80x128xf32, #tpu.memory_space<vmem>>, vector<16xf32>,
      %swap3A_251 = arith.index_cast %scan3A_241 : i32 to index
      %swap3A_252 = arith.constant 48 : index
      %swap3A_253 = tpu.vector_load %arg13[%swap3A_251, %swap3A_252] {strides = array<i32>} : memref<80x128xf32, #tpu.memory_space<vmem>>, vector<16xf32>,
      tpu.vector_store %arg13[%swap3A_251, %swap3A_252], %broadcast_in_dim3A_3 {strides = array<i32>} : memref<80x128xf32, #tpu.memory_space<vmem>>, vector<16xf32>,
      %swap3A_254 = arith.index_cast %scan3A_241 : i32 to index
      %swap3A_255 = arith.constant 64 : index
      %swap3A_256 = tpu.vector_load %arg13[%swap3A_254, %swap3A_255] {strides = array<i32>} : memref<80x128xf32, #tpu.memory_space<vmem>>, vector<16xf32>,
      tpu.vector_store %arg13[%swap3A_254, %swap3A_255], %broadcast_in_dim3A_3 {strides = array<i32>} : memref<80x128xf32, #tpu.memory_space<vmem>>, vector<16xf32>,
      %swap3A_257 = arith.index_cast %scan3A_241 : i32 to index
      %swap3A_258 = arith.constant 80 : index
      %swap3A_259 = tpu.vector_load %arg13[%swap3A_257, %swap3A_258] {strides = array<i32>} : memref<80x128xf32, #tpu.memory_space<vmem>>, vector<16xf32>,
      tpu.vector_store %arg13[%swap3A_257, %swap3A_258], %broadcast_in_dim3A_3 {strides = array<i32>} : memref<80x128xf32, #tpu.memory_space<vmem>>, vector<16xf32>,
      %swap3A_260 = arith.index_cast %scan3A_241 : i32 to index
      %swap3A_261 = arith.constant 96 : index
      %swap3A_262 = tpu.vector_load %arg13[%swap3A_260, %swap3A_261] {strides = array<i32>} : memref<80x128xf32, #tpu.memory_space<vmem>>, vector<16xf32>,
      tpu.vector_store %arg13[%swap3A_260, %swap3A_261], %broadcast_in_dim3A_3 {strides = array<i32>} : memref<80x128xf32, #tpu.memory_space<vmem>>, vector<16xf32>,
      %swap3A_263 = arith.index_cast %scan3A_241 : i32 to index
      %swap3A_264 = arith.constant 112 : index
      %swap3A_265 = tpu.vector_load %arg13[%swap3A_263, %swap3A_264] {strides = array<i32>} : memref<80x128xf32, #tpu.memory_space<vmem>>, vector<16xf32>,
      tpu.vector_store %arg13[%swap3A_263, %swap3A_264], %broadcast_in_dim3A_3 {strides = array<i32>} : memref<80x128xf32, #tpu.memory_space<vmem>>, vector<16xf32>,
    }
    %scan3A_16 = arith.constant 80 : i32
    %add3A_17 = arith.constant 0 : i32
    %add3A_18 = vector.broadcast %add3A_17 : i32 to vector<16xi32>
    %add3A_19 = arith.addi %iota3A, %add3A_18 : vector<16xi32>
    %swap3A = arith.constant 0 : index
    %swap3A_20 = tpu.vector_load %arg14[%swap3A] {strides = array<i32>} : memref<80xi32, #tpu.memory_space<vmem>>, vector<16xi32>,
    tpu.vector_store %arg14[%swap3A], %add3A_19 {strides = array<i32>} : memref<80xi32, #tpu.memory_space<vmem>>, vector<16xi32>,
    %add3A_21 = arith.constant 16 : i32
    %add3A_22 = vector.broadcast %add3A_21 : i32 to vector<16xi32>
    %add3A_23 = arith.addi %iota3A, %add3A_22 : vector<16xi32>
    %swap3A_24 = arith.constant 16 : index
    %swap3A_25 = tpu.vector_load %arg14[%swap3A_24] {strides = array<i32>} : memref<80xi32, #tpu.memory_space<vmem>>, vector<16xi32>,
    tpu.vector_store %arg14[%swap3A_24], %add3A_23 {strides = array<i32>} : memref<80xi32, #tpu.memory_space<vmem>>, vector<16xi32>,
    %add3A_26 = arith.constant 32 : i32
    %add3A_27 = vector.broadcast %add3A_26 : i32 to vector<16xi32>
    %add3A_28 = arith.addi %iota3A, %add3A_27 : vector<16xi32>
    %swap3A_29 = arith.constant 32 : index
    %swap3A_30 = tpu.vector_load %arg14[%swap3A_29] {strides = array<i32>} : memref<80xi32, #tpu.memory_space<vmem>>, vector<16xi32>,
    tpu.vector_store %arg14[%swap3A_29], %add3A_28 {strides = array<i32>} : memref<80xi32, #tpu.memory_space<vmem>>, vector<16xi32>,
    %add3A_31 = arith.constant 48 : i32
    %add3A_32 = vector.broadcast %add3A_31 : i32 to vector<16xi32>
    %add3A_33 = arith.addi %iota3A, %add3A_32 : vector<16xi32>
    %swap3A_34 = arith.constant 48 : index
    %swap3A_35 = tpu.vector_load %arg14[%swap3A_34] {strides = array<i32>} : memref<80xi32, #tpu.memory_space<vmem>>, vector<16xi32>,
    tpu.vector_store %arg14[%swap3A_34], %add3A_33 {strides = array<i32>} : memref<80xi32, #tpu.memory_space<vmem>>, vector<16xi32>,
    %add3A_36 = arith.constant 64 : i32
    %add3A_37 = vector.broadcast %add3A_36 : i32 to vector<16xi32>
    %add3A_38 = arith.addi %iota3A, %add3A_37 : vector<16xi32>
    %swap3A_39 = arith.constant 64 : index
    %swap3A_40 = tpu.vector_load %arg14[%swap3A_39] {strides = array<i32>} : memref<80xi32, #tpu.memory_space<vmem>>, vector<16xi32>,
    tpu.vector_store %arg14[%swap3A_39], %add3A_38 {strides = array<i32>} : memref<80xi32, #tpu.memory_space<vmem>>, vector<16xi32>,
    "tpu.region"() ({
      %run_scoped3A_241 = tpu.sem_alloc : memref<!tpu.dma_semaphore, #tpu.memory_space<semaphore_mem>>
      %dma_start3A = arith.constant 0 : i32
      %dma_start3A_242 = tpu.memref_slice %arg15[%mul3A_2, %dma_start3A] : memref<10080x64xf32, #tpu.memory_space<vmem_shared>> -> memref<315x64xf32, #tpu.memory_space<vmem_shared>>
      %dma_start3A_243 = arith.constant 0 : i32
      %dma_start3A_244 = tpu.memref_slice %arg15[%mul3A_2, %dma_start3A_243] : memref<10080x64xf32, #tpu.memory_space<vmem_shared>> -> memref<315x64xf32, #tpu.memory_space<vmem_shared>>
      tpu.enqueue_dma source(%arg11 : memref<315x64xf32, #tpu.memory_space<vmem>>) target(%dma_start3A_244 : memref<315x64xf32, #tpu.memory_space<vmem_shared>>) target_semaphore(%run_scoped3A_241 : memref<!tpu.dma_semaphore, #tpu.memory_space<semaphore_mem>>)
      %dma_wait3A = arith.constant 0 : i32
      %dma_wait3A_245 = tpu.memref_slice %arg15[%mul3A_2, %dma_wait3A] : memref<10080x64xf32, #tpu.memory_space<vmem_shared>> -> memref<315x64xf32, #tpu.memory_space<vmem_shared>>
      %dma_wait3A_246 = arith.constant 0 : i32
      %dma_wait3A_247 = tpu.memref_slice %arg15[%mul3A_2, %dma_wait3A_246] : memref<10080x64xf32, #tpu.memory_space<vmem_shared>> -> memref<315x64xf32, #tpu.memory_space<vmem_shared>>
      tpu.wait_dma2 semaphore(%run_scoped3A_241 : memref<!tpu.dma_semaphore, #tpu.memory_space<semaphore_mem>>) src(%arg11 : memref<315x64xf32, #tpu.memory_space<vmem>>) dst(%dma_wait3A_247 : memref<315x64xf32, #tpu.memory_space<vmem_shared>>)
      tpu.yield
    }) : () -> ()
    %add3A_41 = arith.constant 315 : i32
    %add3A_42 = arith.addi %mul3A_2, %add3A_41 : i32
    "tpu.region"() ({
      %run_scoped3A_241 = tpu.sem_alloc : memref<!tpu.dma_semaphore, #tpu.memory_space<semaphore_mem>>
      %dma_start3A = arith.constant 0 : i32
      %dma_start3A_242 = tpu.memref_slice %arg15[%add3A_42, %dma_start3A] : memref<10080x64xf32, #tpu.memory_space<vmem_shared>> -> memref<315x64xf32, #tpu.memory_space<vmem_shared>>
      %dma_start3A_243 = arith.constant 0 : i32
      %dma_start3A_244 = tpu.memref_slice %arg15[%add3A_42, %dma_start3A_243] : memref<10080x64xf32, #tpu.memory_space<vmem_shared>> -> memref<315x64xf32, #tpu.memory_space<vmem_shared>>
      tpu.enqueue_dma source(%arg11 : memref<315x64xf32, #tpu.memory_space<vmem>>) target(%dma_start3A_244 : memref<315x64xf32, #tpu.memory_space<vmem_shared>>) target_semaphore(%run_scoped3A_241 : memref<!tpu.dma_semaphore, #tpu.memory_space<semaphore_mem>>)
      %dma_wait3A = arith.constant 0 : i32
      %dma_wait3A_245 = tpu.memref_slice %arg15[%add3A_42, %dma_wait3A] : memref<10080x64xf32, #tpu.memory_space<vmem_shared>> -> memref<315x64xf32, #tpu.memory_space<vmem_shared>>
      %dma_wait3A_246 = arith.constant 0 : i32
      %dma_wait3A_247 = tpu.memref_slice %arg15[%add3A_42, %dma_wait3A_246] : memref<10080x64xf32, #tpu.memory_space<vmem_shared>> -> memref<315x64xf32, #tpu.memory_space<vmem_shared>>
      tpu.wait_dma2 semaphore(%run_scoped3A_241 : memref<!tpu.dma_semaphore, #tpu.memory_space<semaphore_mem>>) src(%arg11 : memref<315x64xf32, #tpu.memory_space<vmem>>) dst(%dma_wait3A_247 : memref<315x64xf32, #tpu.memory_space<vmem_shared>>)
      tpu.yield
    }) : () -> ()
    %mul3A_43 = arith.constant 5 : i32
    %mul3A_44 = arith.muli %arg1, %mul3A_43 : i32
    "tpu.region"() ({
      %run_scoped3A_241 = tpu.sem_alloc : memref<!tpu.dma_semaphore, #tpu.memory_space<semaphore_mem>>
      %dma_start3A = arith.constant 0 : i32
      %dma_start3A_242 = arith.constant 0 : i32
      %dma_start3A_243 = tpu.memref_slice %arg13[%dma_start3A, %dma_start3A_242] : memref<80x128xf32, #tpu.memory_space<vmem>> -> memref<5x128xf32, #tpu.memory_space<vmem>>
      %dma_start3A_244 = arith.constant 0 : i32
      %dma_start3A_245 = tpu.memref_slice %arg16[%mul3A_44, %dma_start3A_244] : memref<80x128xf32, #tpu.memory_space<vmem_shared>> -> memref<5x128xf32, #tpu.memory_space<vmem_shared>>
      %dma_start3A_246 = arith.constant 0 : i32
      %dma_start3A_247 = tpu.memref_slice %arg16[%mul3A_44, %dma_start3A_246] : memref<80x128xf32, #tpu.memory_space<vmem_shared>> -> memref<5x128xf32, #tpu.memory_space<vmem_shared>>
      %dma_start3A_248 = arith.constant 0 : i32
      %dma_start3A_249 = arith.constant 0 : i32
      %dma_start3A_250 = tpu.memref_slice %arg13[%dma_start3A_248, %dma_start3A_249] : memref<80x128xf32, #tpu.memory_space<vmem>> -> memref<5x128xf32, #tpu.memory_space<vmem>>
      tpu.enqueue_dma source(%dma_start3A_250 : memref<5x128xf32, #tpu.memory_space<vmem>>) target(%dma_start3A_247 : memref<5x128xf32, #tpu.memory_space<vmem_shared>>) target_semaphore(%run_scoped3A_241 : memref<!tpu.dma_semaphore, #tpu.memory_space<semaphore_mem>>)
      %dma_wait3A = arith.constant 0 : i32
      %dma_wait3A_251 = arith.constant 0 : i32
      %dma_wait3A_252 = tpu.memref_slice %arg13[%dma_wait3A, %dma_wait3A_251] : memref<80x128xf32, #tpu.memory_space<vmem>> -> memref<5x128xf32, #tpu.memory_space<vmem>>
      %dma_wait3A_253 = arith.constant 0 : i32
      %dma_wait3A_254 = tpu.memref_slice %arg16[%mul3A_44, %dma_wait3A_253] : memref<80x128xf32, #tpu.memory_space<vmem_shared>> -> memref<5x128xf32, #tpu.memory_space<vmem_shared>>
      %dma_wait3A_255 = arith.constant 0 : i32
      %dma_wait3A_256 = tpu.memref_slice %arg16[%mul3A_44, %dma_wait3A_255] : memref<80x128xf32, #tpu.memory_space<vmem_shared>> -> memref<5x128xf32, #tpu.memory_space<vmem_shared>>
      %dma_wait3A_257 = arith.constant 0 : i32
      %dma_wait3A_258 = arith.constant 0 : i32
      %dma_wait3A_259 = tpu.memref_slice %arg13[%dma_wait3A_257, %dma_wait3A_258] : memref<80x128xf32, #tpu.memory_space<vmem>> -> memref<5x128xf32, #tpu.memory_space<vmem>>
      tpu.wait_dma2 semaphore(%run_scoped3A_241 : memref<!tpu.dma_semaphore, #tpu.memory_space<semaphore_mem>>) src(%dma_wait3A_259 : memref<5x128xf32, #tpu.memory_space<vmem>>) dst(%dma_wait3A_256 : memref<5x128xf32, #tpu.memory_space<vmem_shared>>)
      tpu.yield
    }) : () -> ()
    "tpu.region"() ({
      %run_scoped3A_241 = tpu.sem_alloc : memref<!tpu.dma_semaphore, #tpu.memory_space<semaphore_mem>>
      %dma_start3A = arith.constant 0 : i32
      %dma_start3A_242 = arith.constant 0 : i32
      %dma_start3A_243 = tpu.memref_slice %arg4[%add3A, %dma_start3A, %dma_start3A_242] : memref<32x79x128xi32, #tpu.memory_space<hbm>> -> memref<1x79x128xi32, #tpu.memory_space<hbm>>
      %dma_start3A_244 = tpu.memref_squeeze %dma_start3A_243 : memref<1x79x128xi32, #tpu.memory_space<hbm>> -> memref<79x128xi32, #tpu.memory_space<hbm>>
      %dma_start3A_245 = arith.constant 0 : i32
      %dma_start3A_246 = arith.constant 0 : i32
      %dma_start3A_247 = tpu.memref_slice %arg4[%add3A, %dma_start3A_245, %dma_start3A_246] : memref<32x79x128xi32, #tpu.memory_space<hbm>> -> memref<1x79x128xi32, #tpu.memory_space<hbm>>
      %dma_start3A_248 = tpu.memref_squeeze %dma_start3A_247 : memref<1x79x128xi32, #tpu.memory_space<hbm>> -> memref<79x128xi32, #tpu.memory_space<hbm>>
      tpu.enqueue_dma source(%dma_start3A_248 : memref<79x128xi32, #tpu.memory_space<hbm>>) target(%arg7 : memref<79x128xi32, #tpu.memory_space<vmem>>) target_semaphore(%run_scoped3A_241 : memref<!tpu.dma_semaphore, #tpu.memory_space<semaphore_mem>>)
      %dma_wait3A = arith.constant 0 : i32
      %dma_wait3A_249 = arith.constant 0 : i32
      %dma_wait3A_250 = tpu.memref_slice %arg4[%add3A, %dma_wait3A, %dma_wait3A_249] : memref<32x79x128xi32, #tpu.memory_space<hbm>> -> memref<1x79x128xi32, #tpu.memory_space<hbm>>
      %dma_wait3A_251 = tpu.memref_squeeze %dma_wait3A_250 : memref<1x79x128xi32, #tpu.memory_space<hbm>> -> memref<79x128xi32, #tpu.memory_space<hbm>>
      %dma_wait3A_252 = arith.constant 0 : i32
      %dma_wait3A_253 = arith.constant 0 : i32
      %dma_wait3A_254 = tpu.memref_slice %arg4[%add3A, %dma_wait3A_252, %dma_wait3A_253] : memref<32x79x128xi32, #tpu.memory_space<hbm>> -> memref<1x79x128xi32, #tpu.memory_space<hbm>>
      %dma_wait3A_255 = tpu.memref_squeeze %dma_wait3A_254 : memref<1x79x128xi32, #tpu.memory_space<hbm>> -> memref<79x128xi32, #tpu.memory_space<hbm>>
      tpu.wait_dma2 semaphore(%run_scoped3A_241 : memref<!tpu.dma_semaphore, #tpu.memory_space<semaphore_mem>>) src(%dma_wait3A_255 : memref<79x128xi32, #tpu.memory_space<hbm>>) dst(%arg7 : memref<79x128xi32, #tpu.memory_space<vmem>>)
      tpu.yield
    }) : () -> ()
    %mul3A_45 = arith.constant 2 : i32
    %mul3A_46 = arith.muli %arg1, %mul3A_45 : i32
    "tpu.region"() ({
      %run_scoped3A_241 = tpu.sem_alloc : memref<!tpu.dma_semaphore, #tpu.memory_space<semaphore_mem>>
      %dma_start3A = arith.constant 0 : i32
      %dma_start3A_242 = arith.constant 0 : i32
      %dma_start3A_243 = tpu.memref_slice %arg5[%mul3A_46, %dma_start3A, %dma_start3A_242] : memref<32x79x128xi32, #tpu.memory_space<hbm>> -> memref<2x79x128xi32, #tpu.memory_space<hbm>>
      %dma_start3A_244 = arith.constant 0 : i32
      %dma_start3A_245 = arith.constant 0 : i32
      %dma_start3A_246 = tpu.memref_slice %arg5[%mul3A_46, %dma_start3A_244, %dma_start3A_245] : memref<32x79x128xi32, #tpu.memory_space<hbm>> -> memref<2x79x128xi32, #tpu.memory_space<hbm>>
      tpu.enqueue_dma source(%dma_start3A_246 : memref<2x79x128xi32, #tpu.memory_space<hbm>>) target(%arg8 : memref<2x79x128xi32, #tpu.memory_space<vmem>>) target_semaphore(%run_scoped3A_241 : memref<!tpu.dma_semaphore, #tpu.memory_space<semaphore_mem>>)
      %dma_wait3A = arith.constant 0 : i32
      %dma_wait3A_247 = arith.constant 0 : i32
      %dma_wait3A_248 = tpu.memref_slice %arg5[%mul3A_46, %dma_wait3A, %dma_wait3A_247] : memref<32x79x128xi32, #tpu.memory_space<hbm>> -> memref<2x79x128xi32, #tpu.memory_space<hbm>>
      %dma_wait3A_249 = arith.constant 0 : i32
      %dma_wait3A_250 = arith.constant 0 : i32
      %dma_wait3A_251 = tpu.memref_slice %arg5[%mul3A_46, %dma_wait3A_249, %dma_wait3A_250] : memref<32x79x128xi32, #tpu.memory_space<hbm>> -> memref<2x79x128xi32, #tpu.memory_space<hbm>>
      tpu.wait_dma2 semaphore(%run_scoped3A_241 : memref<!tpu.dma_semaphore, #tpu.memory_space<semaphore_mem>>) src(%dma_wait3A_251 : memref<2x79x128xi32, #tpu.memory_space<hbm>>) dst(%arg8 : memref<2x79x128xi32, #tpu.memory_space<vmem>>)
      tpu.yield
    }) : () -> ()
    %barrier3A = arith.constant 0 : index
    tpu.barrier barrier_id(%barrier3A)
    %scan3A_47 = arith.constant 0 : i32
    %scan3A_48 = arith.constant 0 : i32
    %scan3A_49 = arith.constant 79 : i32
    %scan3A_50 = arith.addi %scan3A_48, %scan3A_49 : i32
    %scan3A_51 = arith.constant 1 : i32
    scf.for %scan3A_241 = %scan3A_48 to %scan3A_50 step %scan3A_51  : i32 {
      %dma_start3A = arith.constant 0 : i32
      %dma_start3A_242 = tpu.memref_slice %arg7[%scan3A_241, %dma_start3A] : memref<79x128xi32, #tpu.memory_space<vmem>> -> memref<1x128xi32, #tpu.memory_space<vmem>>
      %dma_start3A_243 = tpu.memref_squeeze %dma_start3A_242 : memref<1x128xi32, #tpu.memory_space<vmem>> -> memref<128xi32, #tpu.memory_space<vmem>>
      %dma_start3A_244 = arith.constant 0 : i32
      %dma_start3A_245 = arith.constant 0 : i32
      %dma_start3A_246 = tpu.memref_slice %arg2[%dma_start3A_244, %dma_start3A_245] : memref<10000x64xf32, #tpu.memory_space<hbm>> -> memref<10000x64xf32, #tpu.memory_space<hbm>>
      tpu.enqueue_indirect_dma source(%dma_start3A_246 : memref<10000x64xf32, #tpu.memory_space<hbm>>) target(%arg9 : memref<128x64xf32, #tpu.memory_space<vmem>>) offsets(%dma_start3A_243 : memref<128xi32, #tpu.memory_space<vmem>>) semaphore(%arg17 : memref<!tpu.dma_semaphore, #tpu.memory_space<semaphore_mem>>)
      %dma_wait3A = arith.constant 0 : i32
      %dma_wait3A_247 = tpu.memref_slice %arg7[%scan3A_241, %dma_wait3A] : memref<79x128xi32, #tpu.memory_space<vmem>> -> memref<1x128xi32, #tpu.memory_space<vmem>>
      %dma_wait3A_248 = tpu.memref_squeeze %dma_wait3A_247 : memref<1x128xi32, #tpu.memory_space<vmem>> -> memref<128xi32, #tpu.memory_space<vmem>>
      %dma_wait3A_249 = arith.constant 0 : i32
      %dma_wait3A_250 = arith.constant 0 : i32
      %dma_wait3A_251 = tpu.memref_slice %arg2[%dma_wait3A_249, %dma_wait3A_250] : memref<10000x64xf32, #tpu.memory_space<hbm>> -> memref<10000x64xf32, #tpu.memory_space<hbm>>
      tpu.wait_indirect_dma semaphore(%arg17 : memref<!tpu.dma_semaphore, #tpu.memory_space<semaphore_mem>>) src(%dma_wait3A_251 : memref<10000x64xf32, #tpu.memory_space<hbm>>) dst(%arg9 : memref<128x64xf32, #tpu.memory_space<vmem>>)
      "tpu.region"() ({
        %run_scoped3A_426 = tpu.sem_alloc : memref<!tpu.dma_semaphore, #tpu.memory_space<semaphore_mem>>
        %dma_start3A_427 = arith.constant 0 : i32
        %dma_start3A_428 = tpu.memref_slice %arg8[%arg0, %scan3A_241, %dma_start3A_427] : memref<2x79x128xi32, #tpu.memory_space<vmem>> -> memref<1x1x128xi32, #tpu.memory_space<vmem>>
        %dma_start3A_429 = tpu.memref_squeeze %dma_start3A_428 : memref<1x1x128xi32, #tpu.memory_space<vmem>> -> memref<128xi32, #tpu.memory_space<vmem>>
        %dma_start3A_430 = arith.constant 0 : i32
        %dma_start3A_431 = arith.constant 0 : i32
        %dma_start3A_432 = tpu.memref_slice %arg15[%dma_start3A_430, %dma_start3A_431] : memref<10080x64xf32, #tpu.memory_space<vmem_shared>> -> memref<10080x64xf32, #tpu.memory_space<vmem_shared>>
        tpu.enqueue_indirect_dma source(%arg9 : memref<128x64xf32, #tpu.memory_space<vmem>>) target(%dma_start3A_432 : memref<10080x64xf32, #tpu.memory_space<vmem_shared>>) offsets(%dma_start3A_429 : memref<128xi32, #tpu.memory_space<vmem>>) semaphore(%run_scoped3A_426 : memref<!tpu.dma_semaphore, #tpu.memory_space<semaphore_mem>>) {add = true}
        %dma_wait3A_433 = arith.constant 0 : i32
        %dma_wait3A_434 = tpu.memref_slice %arg8[%arg0, %scan3A_241, %dma_wait3A_433] : memref<2x79x128xi32, #tpu.memory_space<vmem>> -> memref<1x1x128xi32, #tpu.memory_space<vmem>>
        %dma_wait3A_435 = tpu.memref_squeeze %dma_wait3A_434 : memref<1x1x128xi32, #tpu.memory_space<vmem>> -> memref<128xi32, #tpu.memory_space<vmem>>
        %dma_wait3A_436 = arith.constant 0 : i32
        %dma_wait3A_437 = arith.constant 0 : i32
        %dma_wait3A_438 = tpu.memref_slice %arg15[%dma_wait3A_436, %dma_wait3A_437] : memref<10080x64xf32, #tpu.memory_space<vmem_shared>> -> memref<10080x64xf32, #tpu.memory_space<vmem_shared>>
        tpu.wait_indirect_dma semaphore(%run_scoped3A_426 : memref<!tpu.dma_semaphore, #tpu.memory_space<semaphore_mem>>) src(%arg9 : memref<128x64xf32, #tpu.memory_space<vmem>>) dst(%dma_wait3A_438 : memref<10080x64xf32, #tpu.memory_space<vmem_shared>>)
        tpu.yield
      }) : () -> ()
      %get3A = arith.constant 0 : i32
      %get3A_252 = arith.index_cast %get3A : i32 to index
      %get3A_253 = arith.index_cast %scan3A_241 : i32 to index
      %get3A_254 = arith.constant 0 : index
      %get3A_255 = tpu.vector_load %arg8[%get3A_252, %get3A_253, %get3A_254] {strides = array<i32>} : memref<2x79x128xi32, #tpu.memory_space<vmem>>, vector<16xi32>,
      %shift_right_arithmetic3A = arith.constant 7 : i32
      %shift_right_arithmetic3A_256 = vector.broadcast %shift_right_arithmetic3A : i32 to vector<16xi32>
      %shift_right_arithmetic3A_257 = arith.shrsi %get3A_255, %shift_right_arithmetic3A_256 : vector<16xi32>
      %and3A_258 = arith.constant 127 : i32
      %and3A_259 = vector.broadcast %and3A_258 : i32 to vector<16xi32>
      %and3A_260 = arith.andi %get3A_255, %and3A_259 : vector<16xi32>
      tpu.vector_store_idx %arg13[%shift_right_arithmetic3A_257, %and3A_260], %broadcast_in_dim3A_5 {add = true} : memref<80x128xf32, #tpu.memory_space<vmem>>[vector<16xi32>, vector<16xi32>], vector<16xf32>,
      %get3A_261 = arith.constant 0 : i32
      %get3A_262 = arith.index_cast %get3A_261 : i32 to index
      %get3A_263 = arith.index_cast %scan3A_241 : i32 to index
      %get3A_264 = arith.constant 16 : index
      %get3A_265 = tpu.vector_load %arg8[%get3A_262, %get3A_263, %get3A_264] {strides = array<i32>} : memref<2x79x128xi32, #tpu.memory_space<vmem>>, vector<16xi32>,
      %shift_right_arithmetic3A_266 = arith.constant 7 : i32
      %shift_right_arithmetic3A_267 = vector.broadcast %shift_right_arithmetic3A_266 : i32 to vector<16xi32>
      %shift_right_arithmetic3A_268 = arith.shrsi %get3A_265, %shift_right_arithmetic3A_267 : vector<16xi32>
      %and3A_269 = arith.constant 127 : i32
      %and3A_270 = vector.broadcast %and3A_269 : i32 to vector<16xi32>
      %and3A_271 = arith.andi %get3A_265, %and3A_270 : vector<16xi32>
      tpu.vector_store_idx %arg13[%shift_right_arithmetic3A_268, %and3A_271], %broadcast_in_dim3A_5 {add = true} : memref<80x128xf32, #tpu.memory_space<vmem>>[vector<16xi32>, vector<16xi32>], vector<16xf32>,
      %get3A_272 = arith.constant 0 : i32
      %get3A_273 = arith.index_cast %get3A_272 : i32 to index
      %get3A_274 = arith.index_cast %scan3A_241 : i32 to index
      %get3A_275 = arith.constant 32 : index
      %get3A_276 = tpu.vector_load %arg8[%get3A_273, %get3A_274, %get3A_275] {strides = array<i32>} : memref<2x79x128xi32, #tpu.memory_space<vmem>>, vector<16xi32>,
      %shift_right_arithmetic3A_277 = arith.constant 7 : i32
      %shift_right_arithmetic3A_278 = vector.broadcast %shift_right_arithmetic3A_277 : i32 to vector<16xi32>
      %shift_right_arithmetic3A_279 = arith.shrsi %get3A_276, %shift_right_arithmetic3A_278 : vector<16xi32>
      %and3A_280 = arith.constant 127 : i32
      %and3A_281 = vector.broadcast %and3A_280 : i32 to vector<16xi32>
      %and3A_282 = arith.andi %get3A_276, %and3A_281 : vector<16xi32>
      tpu.vector_store_idx %arg13[%shift_right_arithmetic3A_279, %and3A_282], %broadcast_in_dim3A_5 {add = true} : memref<80x128xf32, #tpu.memory_space<vmem>>[vector<16xi32>, vector<16xi32>], vector<16xf32>,
      %get3A_283 = arith.constant 0 : i32
      %get3A_284 = arith.index_cast %get3A_283 : i32 to index
      %get3A_285 = arith.index_cast %scan3A_241 : i32 to index
      %get3A_286 = arith.constant 48 : index
      %get3A_287 = tpu.vector_load %arg8[%get3A_284, %get3A_285, %get3A_286] {strides = array<i32>} : memref<2x79x128xi32, #tpu.memory_space<vmem>>, vector<16xi32>,
      %shift_right_arithmetic3A_288 = arith.constant 7 : i32
      %shift_right_arithmetic3A_289 = vector.broadcast %shift_right_arithmetic3A_288 : i32 to vector<16xi32>
      %shift_right_arithmetic3A_290 = arith.shrsi %get3A_287, %shift_right_arithmetic3A_289 : vector<16xi32>
      %and3A_291 = arith.constant 127 : i32
      %and3A_292 = vector.broadcast %and3A_291 : i32 to vector<16xi32>
      %and3A_293 = arith.andi %get3A_287, %and3A_292 : vector<16xi32>
      tpu.vector_store_idx %arg13[%shift_right_arithmetic3A_290, %and3A_293], %broadcast_in_dim3A_5 {add = true} : memref<80x128xf32, #tpu.memory_space<vmem>>[vector<16xi32>, vector<16xi32>], vector<16xf32>,
      %get3A_294 = arith.constant 0 : i32
      %get3A_295 = arith.index_cast %get3A_294 : i32 to index
      %get3A_296 = arith.index_cast %scan3A_241 : i32 to index
      %get3A_297 = arith.constant 64 : index
      %get3A_298 = tpu.vector_load %arg8[%get3A_295, %get3A_296, %get3A_297] {strides = array<i32>} : memref<2x79x128xi32, #tpu.memory_space<vmem>>, vector<16xi32>,
      %shift_right_arithmetic3A_299 = arith.constant 7 : i32
      %shift_right_arithmetic3A_300 = vector.broadcast %shift_right_arithmetic3A_299 : i32 to vector<16xi32>
      %shift_right_arithmetic3A_301 = arith.shrsi %get3A_298, %shift_right_arithmetic3A_300 : vector<16xi32>
      %and3A_302 = arith.constant 127 : i32
      %and3A_303 = vector.broadcast %and3A_302 : i32 to vector<16xi32>
      %and3A_304 = arith.andi %get3A_298, %and3A_303 : vector<16xi32>
      tpu.vector_store_idx %arg13[%shift_right_arithmetic3A_301, %and3A_304], %broadcast_in_dim3A_5 {add = true} : memref<80x128xf32, #tpu.memory_space<vmem>>[vector<16xi32>, vector<16xi32>], vector<16xf32>,
      %get3A_305 = arith.constant 0 : i32
      %get3A_306 = arith.index_cast %get3A_305 : i32 to index
      %get3A_307 = arith.index_cast %scan3A_241 : i32 to index
      %get3A_308 = arith.constant 80 : index
      %get3A_309 = tpu.vector_load %arg8[%get3A_306, %get3A_307, %get3A_308] {strides = array<i32>} : memref<2x79x128xi32, #tpu.memory_space<vmem>>, vector<16xi32>,
      %shift_right_arithmetic3A_310 = arith.constant 7 : i32
      %shift_right_arithmetic3A_311 = vector.broadcast %shift_right_arithmetic3A_310 : i32 to vector<16xi32>
      %shift_right_arithmetic3A_312 = arith.shrsi %get3A_309, %shift_right_arithmetic3A_311 : vector<16xi32>
      %and3A_313 = arith.constant 127 : i32
      %and3A_314 = vector.broadcast %and3A_313 : i32 to vector<16xi32>
      %and3A_315 = arith.andi %get3A_309, %and3A_314 : vector<16xi32>
      tpu.vector_store_idx %arg13[%shift_right_arithmetic3A_312, %and3A_315], %broadcast_in_dim3A_5 {add = true} : memref<80x128xf32, #tpu.memory_space<vmem>>[vector<16xi32>, vector<16xi32>], vector<16xf32>,
      %get3A_316 = arith.constant 0 : i32
      %get3A_317 = arith.index_cast %get3A_316 : i32 to index
      %get3A_318 = arith.index_cast %scan3A_241 : i32 to index
      %get3A_319 = arith.constant 96 : index
      %get3A_320 = tpu.vector_load %arg8[%get3A_317, %get3A_318, %get3A_319] {strides = array<i32>} : memref<2x79x128xi32, #tpu.memory_space<vmem>>, vector<16xi32>,
      %shift_right_arithmetic3A_321 = arith.constant 7 : i32
      %shift_right_arithmetic3A_322 = vector.broadcast %shift_right_arithmetic3A_321 : i32 to vector<16xi32>
      %shift_right_arithmetic3A_323 = arith.shrsi %get3A_320, %shift_right_arithmetic3A_322 : vector<16xi32>
      %and3A_324 = arith.constant 127 : i32
      %and3A_325 = vector.broadcast %and3A_324 : i32 to vector<16xi32>
      %and3A_326 = arith.andi %get3A_320, %and3A_325 : vector<16xi32>
      tpu.vector_store_idx %arg13[%shift_right_arithmetic3A_323, %and3A_326], %broadcast_in_dim3A_5 {add = true} : memref<80x128xf32, #tpu.memory_space<vmem>>[vector<16xi32>, vector<16xi32>], vector<16xf32>,
      %get3A_327 = arith.constant 0 : i32
      %get3A_328 = arith.index_cast %get3A_327 : i32 to index
      %get3A_329 = arith.index_cast %scan3A_241 : i32 to index
      %get3A_330 = arith.constant 112 : index
      %get3A_331 = tpu.vector_load %arg8[%get3A_328, %get3A_329, %get3A_330] {strides = array<i32>} : memref<2x79x128xi32, #tpu.memory_space<vmem>>, vector<16xi32>,
      %shift_right_arithmetic3A_332 = arith.constant 7 : i32
      %shift_right_arithmetic3A_333 = vector.broadcast %shift_right_arithmetic3A_332 : i32 to vector<16xi32>
      %shift_right_arithmetic3A_334 = arith.shrsi %get3A_331, %shift_right_arithmetic3A_333 : vector<16xi32>
      %and3A_335 = arith.constant 127 : i32
      %and3A_336 = vector.broadcast %and3A_335 : i32 to vector<16xi32>
      %and3A_337 = arith.andi %get3A_331, %and3A_336 : vector<16xi32>
      tpu.vector_store_idx %arg13[%shift_right_arithmetic3A_334, %and3A_337], %broadcast_in_dim3A_5 {add = true} : memref<80x128xf32, #tpu.memory_space<vmem>>[vector<16xi32>, vector<16xi32>], vector<16xf32>,
      %get3A_338 = arith.constant 1 : i32
      %get3A_339 = arith.index_cast %get3A_338 : i32 to index
      %get3A_340 = arith.index_cast %scan3A_241 : i32 to index
      %get3A_341 = arith.constant 0 : index
      %get3A_342 = tpu.vector_load %arg8[%get3A_339, %get3A_340, %get3A_341] {strides = array<i32>} : memref<2x79x128xi32, #tpu.memory_space<vmem>>, vector<16xi32>,
      %shift_right_arithmetic3A_343 = arith.constant 7 : i32
      %shift_right_arithmetic3A_344 = vector.broadcast %shift_right_arithmetic3A_343 : i32 to vector<16xi32>
      %shift_right_arithmetic3A_345 = arith.shrsi %get3A_342, %shift_right_arithmetic3A_344 : vector<16xi32>
      %and3A_346 = arith.constant 127 : i32
      %and3A_347 = vector.broadcast %and3A_346 : i32 to vector<16xi32>
      %and3A_348 = arith.andi %get3A_342, %and3A_347 : vector<16xi32>
      tpu.vector_store_idx %arg13[%shift_right_arithmetic3A_345, %and3A_348], %broadcast_in_dim3A_5 {add = true} : memref<80x128xf32, #tpu.memory_space<vmem>>[vector<16xi32>, vector<16xi32>], vector<16xf32>,
      %get3A_349 = arith.constant 1 : i32
      %get3A_350 = arith.index_cast %get3A_349 : i32 to index
      %get3A_351 = arith.index_cast %scan3A_241 : i32 to index
      %get3A_352 = arith.constant 16 : index
      %get3A_353 = tpu.vector_load %arg8[%get3A_350, %get3A_351, %get3A_352] {strides = array<i32>} : memref<2x79x128xi32, #tpu.memory_space<vmem>>, vector<16xi32>,
      %shift_right_arithmetic3A_354 = arith.constant 7 : i32
      %shift_right_arithmetic3A_355 = vector.broadcast %shift_right_arithmetic3A_354 : i32 to vector<16xi32>
      %shift_right_arithmetic3A_356 = arith.shrsi %get3A_353, %shift_right_arithmetic3A_355 : vector<16xi32>
      %and3A_357 = arith.constant 127 : i32
      %and3A_358 = vector.broadcast %and3A_357 : i32 to vector<16xi32>
      %and3A_359 = arith.andi %get3A_353, %and3A_358 : vector<16xi32>
      tpu.vector_store_idx %arg13[%shift_right_arithmetic3A_356, %and3A_359], %broadcast_in_dim3A_5 {add = true} : memref<80x128xf32, #tpu.memory_space<vmem>>[vector<16xi32>, vector<16xi32>], vector<16xf32>,
      %get3A_360 = arith.constant 1 : i32
      %get3A_361 = arith.index_cast %get3A_360 : i32 to index
      %get3A_362 = arith.index_cast %scan3A_241 : i32 to index
      %get3A_363 = arith.constant 32 : index
      %get3A_364 = tpu.vector_load %arg8[%get3A_361, %get3A_362, %get3A_363] {strides = array<i32>} : memref<2x79x128xi32, #tpu.memory_space<vmem>>, vector<16xi32>,
      %shift_right_arithmetic3A_365 = arith.constant 7 : i32
      %shift_right_arithmetic3A_366 = vector.broadcast %shift_right_arithmetic3A_365 : i32 to vector<16xi32>
      %shift_right_arithmetic3A_367 = arith.shrsi %get3A_364, %shift_right_arithmetic3A_366 : vector<16xi32>
      %and3A_368 = arith.constant 127 : i32
      %and3A_369 = vector.broadcast %and3A_368 : i32 to vector<16xi32>
      %and3A_370 = arith.andi %get3A_364, %and3A_369 : vector<16xi32>
      tpu.vector_store_idx %arg13[%shift_right_arithmetic3A_367, %and3A_370], %broadcast_in_dim3A_5 {add = true} : memref<80x128xf32, #tpu.memory_space<vmem>>[vector<16xi32>, vector<16xi32>], vector<16xf32>,
      %get3A_371 = arith.constant 1 : i32
      %get3A_372 = arith.index_cast %get3A_371 : i32 to index
      %get3A_373 = arith.index_cast %scan3A_241 : i32 to index
      %get3A_374 = arith.constant 48 : index
      %get3A_375 = tpu.vector_load %arg8[%get3A_372, %get3A_373, %get3A_374] {strides = array<i32>} : memref<2x79x128xi32, #tpu.memory_space<vmem>>, vector<16xi32>,
      %shift_right_arithmetic3A_376 = arith.constant 7 : i32
      %shift_right_arithmetic3A_377 = vector.broadcast %shift_right_arithmetic3A_376 : i32 to vector<16xi32>
      %shift_right_arithmetic3A_378 = arith.shrsi %get3A_375, %shift_right_arithmetic3A_377 : vector<16xi32>
      %and3A_379 = arith.constant 127 : i32
      %and3A_380 = vector.broadcast %and3A_379 : i32 to vector<16xi32>
      %and3A_381 = arith.andi %get3A_375, %and3A_380 : vector<16xi32>
      tpu.vector_store_idx %arg13[%shift_right_arithmetic3A_378, %and3A_381], %broadcast_in_dim3A_5 {add = true} : memref<80x128xf32, #tpu.memory_space<vmem>>[vector<16xi32>, vector<16xi32>], vector<16xf32>,
      %get3A_382 = arith.constant 1 : i32
      %get3A_383 = arith.index_cast %get3A_382 : i32 to index
      %get3A_384 = arith.index_cast %scan3A_241 : i32 to index
      %get3A_385 = arith.constant 64 : index
      %get3A_386 = tpu.vector_load %arg8[%get3A_383, %get3A_384, %get3A_385] {strides = array<i32>} : memref<2x79x128xi32, #tpu.memory_space<vmem>>, vector<16xi32>,
      %shift_right_arithmetic3A_387 = arith.constant 7 : i32
      %shift_right_arithmetic3A_388 = vector.broadcast %shift_right_arithmetic3A_387 : i32 to vector<16xi32>
      %shift_right_arithmetic3A_389 = arith.shrsi %get3A_386, %shift_right_arithmetic3A_388 : vector<16xi32>
      %and3A_390 = arith.constant 127 : i32
      %and3A_391 = vector.broadcast %and3A_390 : i32 to vector<16xi32>
      %and3A_392 = arith.andi %get3A_386, %and3A_391 : vector<16xi32>
      tpu.vector_store_idx %arg13[%shift_right_arithmetic3A_389, %and3A_392], %broadcast_in_dim3A_5 {add = true} : memref<80x128xf32, #tpu.memory_space<vmem>>[vector<16xi32>, vector<16xi32>], vector<16xf32>,
      %get3A_393 = arith.constant 1 : i32
      %get3A_394 = arith.index_cast %get3A_393 : i32 to index
      %get3A_395 = arith.index_cast %scan3A_241 : i32 to index
      %get3A_396 = arith.constant 80 : index
      %get3A_397 = tpu.vector_load %arg8[%get3A_394, %get3A_395, %get3A_396] {strides = array<i32>} : memref<2x79x128xi32, #tpu.memory_space<vmem>>, vector<16xi32>,
      %shift_right_arithmetic3A_398 = arith.constant 7 : i32
      %shift_right_arithmetic3A_399 = vector.broadcast %shift_right_arithmetic3A_398 : i32 to vector<16xi32>
      %shift_right_arithmetic3A_400 = arith.shrsi %get3A_397, %shift_right_arithmetic3A_399 : vector<16xi32>
      %and3A_401 = arith.constant 127 : i32
      %and3A_402 = vector.broadcast %and3A_401 : i32 to vector<16xi32>
      %and3A_403 = arith.andi %get3A_397, %and3A_402 : vector<16xi32>
      tpu.vector_store_idx %arg13[%shift_right_arithmetic3A_400, %and3A_403], %broadcast_in_dim3A_5 {add = true} : memref<80x128xf32, #tpu.memory_space<vmem>>[vector<16xi32>, vector<16xi32>], vector<16xf32>,
      %get3A_404 = arith.constant 1 : i32
      %get3A_405 = arith.index_cast %get3A_404 : i32 to index
      %get3A_406 = arith.index_cast %scan3A_241 : i32 to index
      %get3A_407 = arith.constant 96 : index
      %get3A_408 = tpu.vector_load %arg8[%get3A_405, %get3A_406, %get3A_407] {strides = array<i32>} : memref<2x79x128xi32, #tpu.memory_space<vmem>>, vector<16xi32>,
      %shift_right_arithmetic3A_409 = arith.constant 7 : i32
      %shift_right_arithmetic3A_410 = vector.broadcast %shift_right_arithmetic3A_409 : i32 to vector<16xi32>
      %shift_right_arithmetic3A_411 = arith.shrsi %get3A_408, %shift_right_arithmetic3A_410 : vector<16xi32>
      %and3A_412 = arith.constant 127 : i32
      %and3A_413 = vector.broadcast %and3A_412 : i32 to vector<16xi32>
      %and3A_414 = arith.andi %get3A_408, %and3A_413 : vector<16xi32>
      tpu.vector_store_idx %arg13[%shift_right_arithmetic3A_411, %and3A_414], %broadcast_in_dim3A_5 {add = true} : memref<80x128xf32, #tpu.memory_space<vmem>>[vector<16xi32>, vector<16xi32>], vector<16xf32>,
      %get3A_415 = arith.constant 1 : i32
      %get3A_416 = arith.index_cast %get3A_415 : i32 to index
      %get3A_417 = arith.index_cast %scan3A_241 : i32 to index
      %get3A_418 = arith.constant 112 : index
      %get3A_419 = tpu.vector_load %arg8[%get3A_416, %get3A_417, %get3A_418] {strides = array<i32>} : memref<2x79x128xi32, #tpu.memory_space<vmem>>, vector<16xi32>,
      %shift_right_arithmetic3A_420 = arith.constant 7 : i32
      %shift_right_arithmetic3A_421 = vector.broadcast %shift_right_arithmetic3A_420 : i32 to vector<16xi32>
      %shift_right_arithmetic3A_422 = arith.shrsi %get3A_419, %shift_right_arithmetic3A_421 : vector<16xi32>
      %and3A_423 = arith.constant 127 : i32
      %and3A_424 = vector.broadcast %and3A_423 : i32 to vector<16xi32>
      %and3A_425 = arith.andi %get3A_419, %and3A_424 : vector<16xi32>
      tpu.vector_store_idx %arg13[%shift_right_arithmetic3A_422, %and3A_425], %broadcast_in_dim3A_5 {add = true} : memref<80x128xf32, #tpu.memory_space<vmem>>[vector<16xi32>, vector<16xi32>], vector<16xf32>,
    }
    %scan3A_52 = arith.constant 79 : i32
    "tpu.region"() ({
      %run_scoped3A_241 = tpu.sem_alloc : memref<!tpu.dma_semaphore, #tpu.memory_space<semaphore_mem>>
      %dma_start3A = arith.constant 0 : i32
      %dma_start3A_242 = arith.constant 0 : i32
      %dma_start3A_243 = tpu.memref_slice %arg16[%dma_start3A, %dma_start3A_242] : memref<80x128xf32, #tpu.memory_space<vmem_shared>> -> memref<80x128xf32, #tpu.memory_space<vmem_shared>>
      tpu.enqueue_indirect_dma source(%arg13 : memref<80x128xf32, #tpu.memory_space<vmem>>) target(%dma_start3A_243 : memref<80x128xf32, #tpu.memory_space<vmem_shared>>) offsets(%arg14 : memref<80xi32, #tpu.memory_space<vmem>>) semaphore(%run_scoped3A_241 : memref<!tpu.dma_semaphore, #tpu.memory_space<semaphore_mem>>) {add = true}
      %dma_wait3A = arith.constant 0 : i32
      %dma_wait3A_244 = arith.constant 0 : i32
      %dma_wait3A_245 = tpu.memref_slice %arg16[%dma_wait3A, %dma_wait3A_244] : memref<80x128xf32, #tpu.memory_space<vmem_shared>> -> memref<80x128xf32, #tpu.memory_space<vmem_shared>>
      tpu.wait_indirect_dma semaphore(%run_scoped3A_241 : memref<!tpu.dma_semaphore, #tpu.memory_space<semaphore_mem>>) src(%arg13 : memref<80x128xf32, #tpu.memory_space<vmem>>) dst(%dma_wait3A_245 : memref<80x128xf32, #tpu.memory_space<vmem_shared>>)
      tpu.yield
    }) : () -> ()
    %barrier3A_53 = arith.constant 0 : index
    tpu.barrier barrier_id(%barrier3A_53)
    %mul3A_54 = arith.constant 630 : i32
    %mul3A_55 = arith.muli %arg1, %mul3A_54 : i32
    %jit3A = arith.constant 128 : i32
    %div3A = arith.divsi %mul3A_55, %jit3A : i32
    %sign3A = arith.constant 0 : i32
    %sign3A_56 = arith.cmpi sgt, %mul3A_55, %sign3A : i32
    %sign3A_57 = arith.extui %sign3A_56 : i1 to i32
    %sign3A_58 = arith.constant 0 : i32
    %sign3A_59 = arith.cmpi slt, %mul3A_55, %sign3A_58 : i32
    %sign3A_60 = arith.extui %sign3A_59 : i1 to i32
    %sign3A_61 = arith.subi %sign3A_57, %sign3A_60 : i32
    %sign3A_62 = arith.constant 0 : i32
    %sign3A_63 = arith.cmpi sgt, %jit3A, %sign3A_62 : i32
    %sign3A_64 = arith.extui %sign3A_63 : i1 to i32
    %sign3A_65 = arith.constant 0 : i32
    %sign3A_66 = arith.cmpi slt, %jit3A, %sign3A_65 : i32
    %sign3A_67 = arith.extui %sign3A_66 : i1 to i32
    %sign3A_68 = arith.subi %sign3A_64, %sign3A_67 : i32
    %ne3A = arith.cmpi ne, %sign3A_61, %sign3A_68 : i32
    %rem3A = arith.remsi %mul3A_55, %jit3A : i32
    %ne3A_69 = arith.constant 0 : i32
    %ne3A_70 = arith.cmpi ne, %rem3A, %ne3A_69 : i32
    %and3A = arith.andi %ne3A, %ne3A_70 : i1
    %sub3A = arith.constant 1 : i32
    %sub3A_71 = arith.subi %div3A, %sub3A : i32
    %select_n3A = arith.select %and3A, %sub3A_71, %div3A : i32
    "tpu.region"() ({
      %run_scoped3A_241 = tpu.sem_alloc : memref<!tpu.dma_semaphore, #tpu.memory_space<semaphore_mem>>
      %dma_start3A = arith.constant 0 : i32
      %dma_start3A_242 = tpu.memref_slice %arg16[%select_n3A, %dma_start3A] : memref<80x128xf32, #tpu.memory_space<vmem_shared>> -> memref<6x128xf32, #tpu.memory_space<vmem_shared>>
      %dma_start3A_243 = arith.constant 0 : i32
      %dma_start3A_244 = tpu.memref_slice %arg16[%select_n3A, %dma_start3A_243] : memref<80x128xf32, #tpu.memory_space<vmem_shared>> -> memref<6x128xf32, #tpu.memory_space<vmem_shared>>
      tpu.enqueue_dma source(%dma_start3A_244 : memref<6x128xf32, #tpu.memory_space<vmem_shared>>) target(%arg12 : memref<6x128xf32, #tpu.memory_space<vmem>>) target_semaphore(%run_scoped3A_241 : memref<!tpu.dma_semaphore, #tpu.memory_space<semaphore_mem>>)
      %dma_wait3A = arith.constant 0 : i32
      %dma_wait3A_245 = tpu.memref_slice %arg16[%select_n3A, %dma_wait3A] : memref<80x128xf32, #tpu.memory_space<vmem_shared>> -> memref<6x128xf32, #tpu.memory_space<vmem_shared>>
      %dma_wait3A_246 = arith.constant 0 : i32
      %dma_wait3A_247 = tpu.memref_slice %arg16[%select_n3A, %dma_wait3A_246] : memref<80x128xf32, #tpu.memory_space<vmem_shared>> -> memref<6x128xf32, #tpu.memory_space<vmem_shared>>
      tpu.wait_dma2 semaphore(%run_scoped3A_241 : memref<!tpu.dma_semaphore, #tpu.memory_space<semaphore_mem>>) src(%dma_wait3A_247 : memref<6x128xf32, #tpu.memory_space<vmem_shared>>) dst(%arg12 : memref<6x128xf32, #tpu.memory_space<vmem>>)
      tpu.yield
    }) : () -> ()
    %add3A_72 = arith.constant 0 : i32
    %add3A_73 = arith.addi %mul3A_2, %add3A_72 : i32
    "tpu.region"() ({
      %run_scoped3A_241 = tpu.sem_alloc : memref<!tpu.dma_semaphore, #tpu.memory_space<semaphore_mem>>
      %dma_start3A = arith.constant 0 : i32
      %dma_start3A_242 = tpu.memref_slice %arg15[%add3A_73, %dma_start3A] : memref<10080x64xf32, #tpu.memory_space<vmem_shared>> -> memref<315x64xf32, #tpu.memory_space<vmem_shared>>
      %dma_start3A_243 = arith.constant 0 : i32
      %dma_start3A_244 = tpu.memref_slice %arg15[%add3A_73, %dma_start3A_243] : memref<10080x64xf32, #tpu.memory_space<vmem_shared>> -> memref<315x64xf32, #tpu.memory_space<vmem_shared>>
      tpu.enqueue_dma source(%dma_start3A_244 : memref<315x64xf32, #tpu.memory_space<vmem_shared>>) target(%arg10 : memref<315x64xf32, #tpu.memory_space<vmem>>) target_semaphore(%run_scoped3A_241 : memref<!tpu.dma_semaphore, #tpu.memory_space<semaphore_mem>>)
      %dma_wait3A = arith.constant 0 : i32
      %dma_wait3A_245 = tpu.memref_slice %arg15[%add3A_73, %dma_wait3A] : memref<10080x64xf32, #tpu.memory_space<vmem_shared>> -> memref<315x64xf32, #tpu.memory_space<vmem_shared>>
      %dma_wait3A_246 = arith.constant 0 : i32
      %dma_wait3A_247 = tpu.memref_slice %arg15[%add3A_73, %dma_wait3A_246] : memref<10080x64xf32, #tpu.memory_space<vmem_shared>> -> memref<315x64xf32, #tpu.memory_space<vmem_shared>>
      tpu.wait_dma2 semaphore(%run_scoped3A_241 : memref<!tpu.dma_semaphore, #tpu.memory_space<semaphore_mem>>) src(%dma_wait3A_247 : memref<315x64xf32, #tpu.memory_space<vmem_shared>>) dst(%arg10 : memref<315x64xf32, #tpu.memory_space<vmem>>)
      tpu.yield
    }) : () -> ()
    %mul3A_74 = arith.constant 630 : i32
    %mul3A_75 = arith.muli %arg1, %mul3A_74 : i32
    %mul3A_76 = arith.constant 630 : i32
    %mul3A_77 = arith.muli %arg1, %mul3A_76 : i32
    %jit3A_78 = arith.constant 128 : i32
    %div3A_79 = arith.divsi %mul3A_77, %jit3A_78 : i32
    %sign3A_80 = arith.constant 0 : i32
    %sign3A_81 = arith.cmpi sgt, %mul3A_77, %sign3A_80 : i32
    %sign3A_82 = arith.extui %sign3A_81 : i1 to i32
    %sign3A_83 = arith.constant 0 : i32
    %sign3A_84 = arith.cmpi slt, %mul3A_77, %sign3A_83 : i32
    %sign3A_85 = arith.extui %sign3A_84 : i1 to i32
    %sign3A_86 = arith.subi %sign3A_82, %sign3A_85 : i32
    %sign3A_87 = arith.constant 0 : i32
    %sign3A_88 = arith.cmpi sgt, %jit3A_78, %sign3A_87 : i32
    %sign3A_89 = arith.extui %sign3A_88 : i1 to i32
    %sign3A_90 = arith.constant 0 : i32
    %sign3A_91 = arith.cmpi slt, %jit3A_78, %sign3A_90 : i32
    %sign3A_92 = arith.extui %sign3A_91 : i1 to i32
    %sign3A_93 = arith.subi %sign3A_89, %sign3A_92 : i32
    %ne3A_94 = arith.cmpi ne, %sign3A_86, %sign3A_93 : i32
    %rem3A_95 = arith.remsi %mul3A_77, %jit3A_78 : i32
    %ne3A_96 = arith.constant 0 : i32
    %ne3A_97 = arith.cmpi ne, %rem3A_95, %ne3A_96 : i32
    %and3A_98 = arith.andi %ne3A_94, %ne3A_97 : i1
    %sub3A_99 = arith.constant 1 : i32
    %sub3A_100 = arith.subi %div3A_79, %sub3A_99 : i32
    %select_n3A_101 = arith.select %and3A_98, %sub3A_100, %div3A_79 : i32
    %mul3A_102 = arith.constant 128 : i32
    %mul3A_103 = arith.muli %mul3A_102, %select_n3A_101 : i32
    %sub3A_104 = arith.subi %mul3A_75, %mul3A_103 : i32
    %scan3A_105 = arith.constant 0 : i32
    %scan3A_106 = arith.constant 0 : i32
    %scan3A_107 = arith.constant 315 : i32
    %scan3A_108 = arith.addi %scan3A_106, %scan3A_107 : i32
    %scan3A_109 = arith.constant 1 : i32
    scf.for %scan3A_241 = %scan3A_106 to %scan3A_108 step %scan3A_109  : i32 {
      %add3A_242 = arith.constant 0 : i32
      %add3A_243 = arith.addi %sub3A_104, %add3A_242 : i32
      %add3A_244 = arith.addi %add3A_243, %scan3A_241 : i32
      %shift_right_arithmetic3A = arith.constant 7 : i32
      %shift_right_arithmetic3A_245 = arith.shrsi %add3A_244, %shift_right_arithmetic3A : i32
      %broadcast_in_dim3A_246 = vector.broadcast %shift_right_arithmetic3A_245 : i32 to vector<16xi32>
      %and3A_247 = arith.constant 127 : i32
      %and3A_248 = arith.andi %add3A_244, %and3A_247 : i32
      %broadcast_in_dim3A_249 = vector.broadcast %and3A_248 : i32 to vector<16xi32>
      %gather3A = tpu.vector_load_idx %arg12[%broadcast_in_dim3A_246, %broadcast_in_dim3A_249] : memref<6x128xf32, #tpu.memory_space<vmem>>[vector<16xi32>, vector<16xi32>], vector<16xf32>,
      %max3A = arith.constant 1.000000e+00 : f32
      %max3A_250 = vector.broadcast %max3A : f32 to vector<16xf32>
      %max3A_251 = arith.maximumf %gather3A, %max3A_250 : vector<16xf32>
      %div3A_252 = arith.constant 1.000000e+00 : f32
      %div3A_253 = vector.broadcast %div3A_252 : f32 to vector<16xf32>
      %div3A_254 = arith.divf %div3A_253, %max3A_251 : vector<16xf32>
      %get3A = arith.index_cast %scan3A_241 : i32 to index
      %get3A_255 = arith.constant 0 : index
      %get3A_256 = tpu.vector_load %arg10[%get3A, %get3A_255] {strides = array<i32>} : memref<315x64xf32, #tpu.memory_space<vmem>>, vector<16xf32>,
      %mul3A_257 = arith.mulf %get3A_256, %div3A_254 : vector<16xf32>
      %swap3A_258 = arith.index_cast %scan3A_241 : i32 to index
      %swap3A_259 = arith.constant 0 : index
      %swap3A_260 = tpu.vector_load %arg10[%swap3A_258, %swap3A_259] {strides = array<i32>} : memref<315x64xf32, #tpu.memory_space<vmem>>, vector<16xf32>,
      tpu.vector_store %arg10[%swap3A_258, %swap3A_259], %mul3A_257 {strides = array<i32>} : memref<315x64xf32, #tpu.memory_space<vmem>>, vector<16xf32>,
      %get3A_261 = arith.index_cast %scan3A_241 : i32 to index
      %get3A_262 = arith.constant 16 : index
      %get3A_263 = tpu.vector_load %arg10[%get3A_261, %get3A_262] {strides = array<i32>} : memref<315x64xf32, #tpu.memory_space<vmem>>, vector<16xf32>,
      %mul3A_264 = arith.mulf %get3A_263, %div3A_254 : vector<16xf32>
      %swap3A_265 = arith.index_cast %scan3A_241 : i32 to index
      %swap3A_266 = arith.constant 16 : index
      %swap3A_267 = tpu.vector_load %arg10[%swap3A_265, %swap3A_266] {strides = array<i32>} : memref<315x64xf32, #tpu.memory_space<vmem>>, vector<16xf32>,
      tpu.vector_store %arg10[%swap3A_265, %swap3A_266], %mul3A_264 {strides = array<i32>} : memref<315x64xf32, #tpu.memory_space<vmem>>, vector<16xf32>,
      %get3A_268 = arith.index_cast %scan3A_241 : i32 to index
      %get3A_269 = arith.constant 32 : index
      %get3A_270 = tpu.vector_load %arg10[%get3A_268, %get3A_269] {strides = array<i32>} : memref<315x64xf32, #tpu.memory_space<vmem>>, vector<16xf32>,
      %mul3A_271 = arith.mulf %get3A_270, %div3A_254 : vector<16xf32>
      %swap3A_272 = arith.index_cast %scan3A_241 : i32 to index
      %swap3A_273 = arith.constant 32 : index
      %swap3A_274 = tpu.vector_load %arg10[%swap3A_272, %swap3A_273] {strides = array<i32>} : memref<315x64xf32, #tpu.memory_space<vmem>>, vector<16xf32>,
      tpu.vector_store %arg10[%swap3A_272, %swap3A_273], %mul3A_271 {strides = array<i32>} : memref<315x64xf32, #tpu.memory_space<vmem>>, vector<16xf32>,
      %get3A_275 = arith.index_cast %scan3A_241 : i32 to index
      %get3A_276 = arith.constant 48 : index
      %get3A_277 = tpu.vector_load %arg10[%get3A_275, %get3A_276] {strides = array<i32>} : memref<315x64xf32, #tpu.memory_space<vmem>>, vector<16xf32>,
      %mul3A_278 = arith.mulf %get3A_277, %div3A_254 : vector<16xf32>
      %swap3A_279 = arith.index_cast %scan3A_241 : i32 to index
      %swap3A_280 = arith.constant 48 : index
      %swap3A_281 = tpu.vector_load %arg10[%swap3A_279, %swap3A_280] {strides = array<i32>} : memref<315x64xf32, #tpu.memory_space<vmem>>, vector<16xf32>,
      tpu.vector_store %arg10[%swap3A_279, %swap3A_280], %mul3A_278 {strides = array<i32>} : memref<315x64xf32, #tpu.memory_space<vmem>>, vector<16xf32>,
    }
    %scan3A_110 = arith.constant 315 : i32
    %run_scoped3A = arith.constant 0 : i32
    "tpu.region"() ({
      %run_scoped3A_241 = tpu.sem_alloc : memref<!tpu.dma_semaphore, #tpu.memory_space<semaphore_mem>>
      %dma_start3A = arith.constant 0 : i32
      %dma_start3A_242 = tpu.memref_slice %arg6[%arg0, %run_scoped3A, %add3A_73, %dma_start3A] : memref<2x2x10080x64xf32, #tpu.memory_space<hbm>> -> memref<1x1x315x64xf32, #tpu.memory_space<hbm>>
      %dma_start3A_243 = tpu.memref_squeeze %dma_start3A_242 : memref<1x1x315x64xf32, #tpu.memory_space<hbm>> -> memref<315x64xf32, #tpu.memory_space<hbm>>
      %dma_start3A_244 = arith.constant 0 : i32
      %dma_start3A_245 = tpu.memref_slice %arg6[%arg0, %run_scoped3A, %add3A_73, %dma_start3A_244] : memref<2x2x10080x64xf32, #tpu.memory_space<hbm>> -> memref<1x1x315x64xf32, #tpu.memory_space<hbm>>
      %dma_start3A_246 = tpu.memref_squeeze %dma_start3A_245 : memref<1x1x315x64xf32, #tpu.memory_space<hbm>> -> memref<315x64xf32, #tpu.memory_space<hbm>>
      tpu.enqueue_dma source(%arg10 : memref<315x64xf32, #tpu.memory_space<vmem>>) target(%dma_start3A_246 : memref<315x64xf32, #tpu.memory_space<hbm>>) target_semaphore(%run_scoped3A_241 : memref<!tpu.dma_semaphore, #tpu.memory_space<semaphore_mem>>)
      %dma_wait3A = arith.constant 0 : i32
      %dma_wait3A_247 = tpu.memref_slice %arg6[%arg0, %run_scoped3A, %add3A_73, %dma_wait3A] : memref<2x2x10080x64xf32, #tpu.memory_space<hbm>> -> memref<1x1x315x64xf32, #tpu.memory_space<hbm>>
      %dma_wait3A_248 = tpu.memref_squeeze %dma_wait3A_247 : memref<1x1x315x64xf32, #tpu.memory_space<hbm>> -> memref<315x64xf32, #tpu.memory_space<hbm>>
      %dma_wait3A_249 = arith.constant 0 : i32
      %dma_wait3A_250 = tpu.memref_slice %arg6[%arg0, %run_scoped3A, %add3A_73, %dma_wait3A_249] : memref<2x2x10080x64xf32, #tpu.memory_space<hbm>> -> memref<1x1x315x64xf32, #tpu.memory_space<hbm>>
      %dma_wait3A_251 = tpu.memref_squeeze %dma_wait3A_250 : memref<1x1x315x64xf32, #tpu.memory_space<hbm>> -> memref<315x64xf32, #tpu.memory_space<hbm>>
      tpu.wait_dma2 semaphore(%run_scoped3A_241 : memref<!tpu.dma_semaphore, #tpu.memory_space<semaphore_mem>>) src(%arg10 : memref<315x64xf32, #tpu.memory_space<vmem>>) dst(%dma_wait3A_251 : memref<315x64xf32, #tpu.memory_space<hbm>>)
      tpu.yield
    }) : () -> ()
    %add3A_111 = arith.constant 315 : i32
    %add3A_112 = arith.addi %mul3A_2, %add3A_111 : i32
    "tpu.region"() ({
      %run_scoped3A_241 = tpu.sem_alloc : memref<!tpu.dma_semaphore, #tpu.memory_space<semaphore_mem>>
      %dma_start3A = arith.constant 0 : i32
      %dma_start3A_242 = tpu.memref_slice %arg15[%add3A_112, %dma_start3A] : memref<10080x64xf32, #tpu.memory_space<vmem_shared>> -> memref<315x64xf32, #tpu.memory_space<vmem_shared>>
      %dma_start3A_243 = arith.constant 0 : i32
      %dma_start3A_244 = tpu.memref_slice %arg15[%add3A_112, %dma_start3A_243] : memref<10080x64xf32, #tpu.memory_space<vmem_shared>> -> memref<315x64xf32, #tpu.memory_space<vmem_shared>>
      tpu.enqueue_dma source(%dma_start3A_244 : memref<315x64xf32, #tpu.memory_space<vmem_shared>>) target(%arg10 : memref<315x64xf32, #tpu.memory_space<vmem>>) target_semaphore(%run_scoped3A_241 : memref<!tpu.dma_semaphore, #tpu.memory_space<semaphore_mem>>)
      %dma_wait3A = arith.constant 0 : i32
      %dma_wait3A_245 = tpu.memref_slice %arg15[%add3A_112, %dma_wait3A] : memref<10080x64xf32, #tpu.memory_space<vmem_shared>> -> memref<315x64xf32, #tpu.memory_space<vmem_shared>>
      %dma_wait3A_246 = arith.constant 0 : i32
      %dma_wait3A_247 = tpu.memref_slice %arg15[%add3A_112, %dma_wait3A_246] : memref<10080x64xf32, #tpu.memory_space<vmem_shared>> -> memref<315x64xf32, #tpu.memory_space<vmem_shared>>
      tpu.wait_dma2 semaphore(%run_scoped3A_241 : memref<!tpu.dma_semaphore, #tpu.memory_space<semaphore_mem>>) src(%dma_wait3A_247 : memref<315x64xf32, #tpu.memory_space<vmem_shared>>) dst(%arg10 : memref<315x64xf32, #tpu.memory_space<vmem>>)
      tpu.yield
    }) : () -> ()
    %mul3A_113 = arith.constant 630 : i32
    %mul3A_114 = arith.muli %arg1, %mul3A_113 : i32
    %mul3A_115 = arith.constant 630 : i32
    %mul3A_116 = arith.muli %arg1, %mul3A_115 : i32
    %jit3A_117 = arith.constant 128 : i32
    %div3A_118 = arith.divsi %mul3A_116, %jit3A_117 : i32
    %sign3A_119 = arith.constant 0 : i32
    %sign3A_120 = arith.cmpi sgt, %mul3A_116, %sign3A_119 : i32
    %sign3A_121 = arith.extui %sign3A_120 : i1 to i32
    %sign3A_122 = arith.constant 0 : i32
    %sign3A_123 = arith.cmpi slt, %mul3A_116, %sign3A_122 : i32
    %sign3A_124 = arith.extui %sign3A_123 : i1 to i32
    %sign3A_125 = arith.subi %sign3A_121, %sign3A_124 : i32
    %sign3A_126 = arith.constant 0 : i32
    %sign3A_127 = arith.cmpi sgt, %jit3A_117, %sign3A_126 : i32
    %sign3A_128 = arith.extui %sign3A_127 : i1 to i32
    %sign3A_129 = arith.constant 0 : i32
    %sign3A_130 = arith.cmpi slt, %jit3A_117, %sign3A_129 : i32
    %sign3A_131 = arith.extui %sign3A_130 : i1 to i32
    %sign3A_132 = arith.subi %sign3A_128, %sign3A_131 : i32
    %ne3A_133 = arith.cmpi ne, %sign3A_125, %sign3A_132 : i32
    %rem3A_134 = arith.remsi %mul3A_116, %jit3A_117 : i32
    %ne3A_135 = arith.constant 0 : i32
    %ne3A_136 = arith.cmpi ne, %rem3A_134, %ne3A_135 : i32
    %and3A_137 = arith.andi %ne3A_133, %ne3A_136 : i1
    %sub3A_138 = arith.constant 1 : i32
    %sub3A_139 = arith.subi %div3A_118, %sub3A_138 : i32
    %select_n3A_140 = arith.select %and3A_137, %sub3A_139, %div3A_118 : i32
    %mul3A_141 = arith.constant 128 : i32
    %mul3A_142 = arith.muli %mul3A_141, %select_n3A_140 : i32
    %sub3A_143 = arith.subi %mul3A_114, %mul3A_142 : i32
    %scan3A_144 = arith.constant 0 : i32
    %scan3A_145 = arith.constant 0 : i32
    %scan3A_146 = arith.constant 315 : i32
    %scan3A_147 = arith.addi %scan3A_145, %scan3A_146 : i32
    %scan3A_148 = arith.constant 1 : i32
    scf.for %scan3A_241 = %scan3A_145 to %scan3A_147 step %scan3A_148  : i32 {
      %add3A_242 = arith.constant 315 : i32
      %add3A_243 = arith.addi %sub3A_143, %add3A_242 : i32
      %add3A_244 = arith.addi %add3A_243, %scan3A_241 : i32
      %shift_right_arithmetic3A = arith.constant 7 : i32
      %shift_right_arithmetic3A_245 = arith.shrsi %add3A_244, %shift_right_arithmetic3A : i32
      %broadcast_in_dim3A_246 = vector.broadcast %shift_right_arithmetic3A_245 : i32 to vector<16xi32>
      %and3A_247 = arith.constant 127 : i32
      %and3A_248 = arith.andi %add3A_244, %and3A_247 : i32
      %broadcast_in_dim3A_249 = vector.broadcast %and3A_248 : i32 to vector<16xi32>
      %gather3A = tpu.vector_load_idx %arg12[%broadcast_in_dim3A_246, %broadcast_in_dim3A_249] : memref<6x128xf32, #tpu.memory_space<vmem>>[vector<16xi32>, vector<16xi32>], vector<16xf32>,
      %max3A = arith.constant 1.000000e+00 : f32
      %max3A_250 = vector.broadcast %max3A : f32 to vector<16xf32>
      %max3A_251 = arith.maximumf %gather3A, %max3A_250 : vector<16xf32>
      %div3A_252 = arith.constant 1.000000e+00 : f32
      %div3A_253 = vector.broadcast %div3A_252 : f32 to vector<16xf32>
      %div3A_254 = arith.divf %div3A_253, %max3A_251 : vector<16xf32>
      %get3A = arith.index_cast %scan3A_241 : i32 to index
      %get3A_255 = arith.constant 0 : index
      %get3A_256 = tpu.vector_load %arg10[%get3A, %get3A_255] {strides = array<i32>} : memref<315x64xf32, #tpu.memory_space<vmem>>, vector<16xf32>,
      %mul3A_257 = arith.mulf %get3A_256, %div3A_254 : vector<16xf32>
      %swap3A_258 = arith.index_cast %scan3A_241 : i32 to index
      %swap3A_259 = arith.constant 0 : index
      %swap3A_260 = tpu.vector_load %arg10[%swap3A_258, %swap3A_259] {strides = array<i32>} : memref<315x64xf32, #tpu.memory_space<vmem>>, vector<16xf32>,
      tpu.vector_store %arg10[%swap3A_258, %swap3A_259], %mul3A_257 {strides = array<i32>} : memref<315x64xf32, #tpu.memory_space<vmem>>, vector<16xf32>,
      %get3A_261 = arith.index_cast %scan3A_241 : i32 to index
      %get3A_262 = arith.constant 16 : index
      %get3A_263 = tpu.vector_load %arg10[%get3A_261, %get3A_262] {strides = array<i32>} : memref<315x64xf32, #tpu.memory_space<vmem>>, vector<16xf32>,
      %mul3A_264 = arith.mulf %get3A_263, %div3A_254 : vector<16xf32>
      %swap3A_265 = arith.index_cast %scan3A_241 : i32 to index
      %swap3A_266 = arith.constant 16 : index
      %swap3A_267 = tpu.vector_load %arg10[%swap3A_265, %swap3A_266] {strides = array<i32>} : memref<315x64xf32, #tpu.memory_space<vmem>>, vector<16xf32>,
      tpu.vector_store %arg10[%swap3A_265, %swap3A_266], %mul3A_264 {strides = array<i32>} : memref<315x64xf32, #tpu.memory_space<vmem>>, vector<16xf32>,
      %get3A_268 = arith.index_cast %scan3A_241 : i32 to index
      %get3A_269 = arith.constant 32 : index
      %get3A_270 = tpu.vector_load %arg10[%get3A_268, %get3A_269] {strides = array<i32>} : memref<315x64xf32, #tpu.memory_space<vmem>>, vector<16xf32>,
      %mul3A_271 = arith.mulf %get3A_270, %div3A_254 : vector<16xf32>
      %swap3A_272 = arith.index_cast %scan3A_241 : i32 to index
      %swap3A_273 = arith.constant 32 : index
      %swap3A_274 = tpu.vector_load %arg10[%swap3A_272, %swap3A_273] {strides = array<i32>} : memref<315x64xf32, #tpu.memory_space<vmem>>, vector<16xf32>,
      tpu.vector_store %arg10[%swap3A_272, %swap3A_273], %mul3A_271 {strides = array<i32>} : memref<315x64xf32, #tpu.memory_space<vmem>>, vector<16xf32>,
      %get3A_275 = arith.index_cast %scan3A_241 : i32 to index
      %get3A_276 = arith.constant 48 : index
      %get3A_277 = tpu.vector_load %arg10[%get3A_275, %get3A_276] {strides = array<i32>} : memref<315x64xf32, #tpu.memory_space<vmem>>, vector<16xf32>,
      %mul3A_278 = arith.mulf %get3A_277, %div3A_254 : vector<16xf32>
      %swap3A_279 = arith.index_cast %scan3A_241 : i32 to index
      %swap3A_280 = arith.constant 48 : index
      %swap3A_281 = tpu.vector_load %arg10[%swap3A_279, %swap3A_280] {strides = array<i32>} : memref<315x64xf32, #tpu.memory_space<vmem>>, vector<16xf32>,
      tpu.vector_store %arg10[%swap3A_279, %swap3A_280], %mul3A_278 {strides = array<i32>} : memref<315x64xf32, #tpu.memory_space<vmem>>, vector<16xf32>,
    }
    %scan3A_149 = arith.constant 315 : i32
    %run_scoped3A_150 = arith.constant 0 : i32
    "tpu.region"() ({
      %run_scoped3A_241 = tpu.sem_alloc : memref<!tpu.dma_semaphore, #tpu.memory_space<semaphore_mem>>
      %dma_start3A = arith.constant 0 : i32
      %dma_start3A_242 = tpu.memref_slice %arg6[%arg0, %run_scoped3A_150, %add3A_112, %dma_start3A] : memref<2x2x10080x64xf32, #tpu.memory_space<hbm>> -> memref<1x1x315x64xf32, #tpu.memory_space<hbm>>
      %dma_start3A_243 = tpu.memref_squeeze %dma_start3A_242 : memref<1x1x315x64xf32, #tpu.memory_space<hbm>> -> memref<315x64xf32, #tpu.memory_space<hbm>>
      %dma_start3A_244 = arith.constant 0 : i32
      %dma_start3A_245 = tpu.memref_slice %arg6[%arg0, %run_scoped3A_150, %add3A_112, %dma_start3A_244] : memref<2x2x10080x64xf32, #tpu.memory_space<hbm>> -> memref<1x1x315x64xf32, #tpu.memory_space<hbm>>
      %dma_start3A_246 = tpu.memref_squeeze %dma_start3A_245 : memref<1x1x315x64xf32, #tpu.memory_space<hbm>> -> memref<315x64xf32, #tpu.memory_space<hbm>>
      tpu.enqueue_dma source(%arg10 : memref<315x64xf32, #tpu.memory_space<vmem>>) target(%dma_start3A_246 : memref<315x64xf32, #tpu.memory_space<hbm>>) target_semaphore(%run_scoped3A_241 : memref<!tpu.dma_semaphore, #tpu.memory_space<semaphore_mem>>)
      %dma_wait3A = arith.constant 0 : i32
      %dma_wait3A_247 = tpu.memref_slice %arg6[%arg0, %run_scoped3A_150, %add3A_112, %dma_wait3A] : memref<2x2x10080x64xf32, #tpu.memory_space<hbm>> -> memref<1x1x315x64xf32, #tpu.memory_space<hbm>>
      %dma_wait3A_248 = tpu.memref_squeeze %dma_wait3A_247 : memref<1x1x315x64xf32, #tpu.memory_space<hbm>> -> memref<315x64xf32, #tpu.memory_space<hbm>>
      %dma_wait3A_249 = arith.constant 0 : i32
      %dma_wait3A_250 = tpu.memref_slice %arg6[%arg0, %run_scoped3A_150, %add3A_112, %dma_wait3A_249] : memref<2x2x10080x64xf32, #tpu.memory_space<hbm>> -> memref<1x1x315x64xf32, #tpu.memory_space<hbm>>
      %dma_wait3A_251 = tpu.memref_squeeze %dma_wait3A_250 : memref<1x1x315x64xf32, #tpu.memory_space<hbm>> -> memref<315x64xf32, #tpu.memory_space<hbm>>
      tpu.wait_dma2 semaphore(%run_scoped3A_241 : memref<!tpu.dma_semaphore, #tpu.memory_space<semaphore_mem>>) src(%arg10 : memref<315x64xf32, #tpu.memory_space<vmem>>) dst(%dma_wait3A_251 : memref<315x64xf32, #tpu.memory_space<hbm>>)
      tpu.yield
    }) : () -> ()
    "tpu.region"() ({
      %run_scoped3A_241 = tpu.sem_alloc : memref<!tpu.dma_semaphore, #tpu.memory_space<semaphore_mem>>
      %dma_start3A = arith.constant 0 : i32
      %dma_start3A_242 = tpu.memref_slice %arg15[%mul3A_2, %dma_start3A] : memref<10080x64xf32, #tpu.memory_space<vmem_shared>> -> memref<315x64xf32, #tpu.memory_space<vmem_shared>>
      %dma_start3A_243 = arith.constant 0 : i32
      %dma_start3A_244 = tpu.memref_slice %arg15[%mul3A_2, %dma_start3A_243] : memref<10080x64xf32, #tpu.memory_space<vmem_shared>> -> memref<315x64xf32, #tpu.memory_space<vmem_shared>>
      tpu.enqueue_dma source(%arg11 : memref<315x64xf32, #tpu.memory_space<vmem>>) target(%dma_start3A_244 : memref<315x64xf32, #tpu.memory_space<vmem_shared>>) target_semaphore(%run_scoped3A_241 : memref<!tpu.dma_semaphore, #tpu.memory_space<semaphore_mem>>)
      %dma_wait3A = arith.constant 0 : i32
      %dma_wait3A_245 = tpu.memref_slice %arg15[%mul3A_2, %dma_wait3A] : memref<10080x64xf32, #tpu.memory_space<vmem_shared>> -> memref<315x64xf32, #tpu.memory_space<vmem_shared>>
      %dma_wait3A_246 = arith.constant 0 : i32
      %dma_wait3A_247 = tpu.memref_slice %arg15[%mul3A_2, %dma_wait3A_246] : memref<10080x64xf32, #tpu.memory_space<vmem_shared>> -> memref<315x64xf32, #tpu.memory_space<vmem_shared>>
      tpu.wait_dma2 semaphore(%run_scoped3A_241 : memref<!tpu.dma_semaphore, #tpu.memory_space<semaphore_mem>>) src(%arg11 : memref<315x64xf32, #tpu.memory_space<vmem>>) dst(%dma_wait3A_247 : memref<315x64xf32, #tpu.memory_space<vmem_shared>>)
      tpu.yield
    }) : () -> ()
    %add3A_151 = arith.constant 315 : i32
    %add3A_152 = arith.addi %mul3A_2, %add3A_151 : i32
    "tpu.region"() ({
      %run_scoped3A_241 = tpu.sem_alloc : memref<!tpu.dma_semaphore, #tpu.memory_space<semaphore_mem>>
      %dma_start3A = arith.constant 0 : i32
      %dma_start3A_242 = tpu.memref_slice %arg15[%add3A_152, %dma_start3A] : memref<10080x64xf32, #tpu.memory_space<vmem_shared>> -> memref<315x64xf32, #tpu.memory_space<vmem_shared>>
      %dma_start3A_243 = arith.constant 0 : i32
      %dma_start3A_244 = tpu.memref_slice %arg15[%add3A_152, %dma_start3A_243] : memref<10080x64xf32, #tpu.memory_space<vmem_shared>> -> memref<315x64xf32, #tpu.memory_space<vmem_shared>>
      tpu.enqueue_dma source(%arg11 : memref<315x64xf32, #tpu.memory_space<vmem>>) target(%dma_start3A_244 : memref<315x64xf32, #tpu.memory_space<vmem_shared>>) target_semaphore(%run_scoped3A_241 : memref<!tpu.dma_semaphore, #tpu.memory_space<semaphore_mem>>)
      %dma_wait3A = arith.constant 0 : i32
      %dma_wait3A_245 = tpu.memref_slice %arg15[%add3A_152, %dma_wait3A] : memref<10080x64xf32, #tpu.memory_space<vmem_shared>> -> memref<315x64xf32, #tpu.memory_space<vmem_shared>>
      %dma_wait3A_246 = arith.constant 0 : i32
      %dma_wait3A_247 = tpu.memref_slice %arg15[%add3A_152, %dma_wait3A_246] : memref<10080x64xf32, #tpu.memory_space<vmem_shared>> -> memref<315x64xf32, #tpu.memory_space<vmem_shared>>
      tpu.wait_dma2 semaphore(%run_scoped3A_241 : memref<!tpu.dma_semaphore, #tpu.memory_space<semaphore_mem>>) src(%arg11 : memref<315x64xf32, #tpu.memory_space<vmem>>) dst(%dma_wait3A_247 : memref<315x64xf32, #tpu.memory_space<vmem_shared>>)
      tpu.yield
    }) : () -> ()
    %barrier3A_153 = arith.constant 0 : index
    tpu.barrier barrier_id(%barrier3A_153)
    %scan3A_154 = arith.constant 0 : i32
    %scan3A_155 = arith.constant 0 : i32
    %scan3A_156 = arith.constant 79 : i32
    %scan3A_157 = arith.addi %scan3A_155, %scan3A_156 : i32
    %scan3A_158 = arith.constant 1 : i32
    scf.for %scan3A_241 = %scan3A_155 to %scan3A_157 step %scan3A_158  : i32 {
      %dma_start3A = arith.constant 0 : i32
      %dma_start3A_242 = tpu.memref_slice %arg7[%scan3A_241, %dma_start3A] : memref<79x128xi32, #tpu.memory_space<vmem>> -> memref<1x128xi32, #tpu.memory_space<vmem>>
      %dma_start3A_243 = tpu.memref_squeeze %dma_start3A_242 : memref<1x128xi32, #tpu.memory_space<vmem>> -> memref<128xi32, #tpu.memory_space<vmem>>
      %dma_start3A_244 = arith.constant 0 : i32
      %dma_start3A_245 = arith.constant 0 : i32
      %dma_start3A_246 = tpu.memref_slice %arg3[%dma_start3A_244, %dma_start3A_245] : memref<10000x64xf32, #tpu.memory_space<hbm>> -> memref<10000x64xf32, #tpu.memory_space<hbm>>
      tpu.enqueue_indirect_dma source(%dma_start3A_246 : memref<10000x64xf32, #tpu.memory_space<hbm>>) target(%arg9 : memref<128x64xf32, #tpu.memory_space<vmem>>) offsets(%dma_start3A_243 : memref<128xi32, #tpu.memory_space<vmem>>) semaphore(%arg17 : memref<!tpu.dma_semaphore, #tpu.memory_space<semaphore_mem>>)
      %dma_wait3A = arith.constant 0 : i32
      %dma_wait3A_247 = tpu.memref_slice %arg7[%scan3A_241, %dma_wait3A] : memref<79x128xi32, #tpu.memory_space<vmem>> -> memref<1x128xi32, #tpu.memory_space<vmem>>
      %dma_wait3A_248 = tpu.memref_squeeze %dma_wait3A_247 : memref<1x128xi32, #tpu.memory_space<vmem>> -> memref<128xi32, #tpu.memory_space<vmem>>
      %dma_wait3A_249 = arith.constant 0 : i32
      %dma_wait3A_250 = arith.constant 0 : i32
      %dma_wait3A_251 = tpu.memref_slice %arg3[%dma_wait3A_249, %dma_wait3A_250] : memref<10000x64xf32, #tpu.memory_space<hbm>> -> memref<10000x64xf32, #tpu.memory_space<hbm>>
      tpu.wait_indirect_dma semaphore(%arg17 : memref<!tpu.dma_semaphore, #tpu.memory_space<semaphore_mem>>) src(%dma_wait3A_251 : memref<10000x64xf32, #tpu.memory_space<hbm>>) dst(%arg9 : memref<128x64xf32, #tpu.memory_space<vmem>>)
      "tpu.region"() ({
        %run_scoped3A_252 = tpu.sem_alloc : memref<!tpu.dma_semaphore, #tpu.memory_space<semaphore_mem>>
        %dma_start3A_253 = arith.constant 0 : i32
        %dma_start3A_254 = tpu.memref_slice %arg8[%arg0, %scan3A_241, %dma_start3A_253] : memref<2x79x128xi32, #tpu.memory_space<vmem>> -> memref<1x1x128xi32, #tpu.memory_space<vmem>>
        %dma_start3A_255 = tpu.memref_squeeze %dma_start3A_254 : memref<1x1x128xi32, #tpu.memory_space<vmem>> -> memref<128xi32, #tpu.memory_space<vmem>>
        %dma_start3A_256 = arith.constant 0 : i32
        %dma_start3A_257 = arith.constant 0 : i32
        %dma_start3A_258 = tpu.memref_slice %arg15[%dma_start3A_256, %dma_start3A_257] : memref<10080x64xf32, #tpu.memory_space<vmem_shared>> -> memref<10080x64xf32, #tpu.memory_space<vmem_shared>>
        tpu.enqueue_indirect_dma source(%arg9 : memref<128x64xf32, #tpu.memory_space<vmem>>) target(%dma_start3A_258 : memref<10080x64xf32, #tpu.memory_space<vmem_shared>>) offsets(%dma_start3A_255 : memref<128xi32, #tpu.memory_space<vmem>>) semaphore(%run_scoped3A_252 : memref<!tpu.dma_semaphore, #tpu.memory_space<semaphore_mem>>) {add = true}
        %dma_wait3A_259 = arith.constant 0 : i32
        %dma_wait3A_260 = tpu.memref_slice %arg8[%arg0, %scan3A_241, %dma_wait3A_259] : memref<2x79x128xi32, #tpu.memory_space<vmem>> -> memref<1x1x128xi32, #tpu.memory_space<vmem>>
        %dma_wait3A_261 = tpu.memref_squeeze %dma_wait3A_260 : memref<1x1x128xi32, #tpu.memory_space<vmem>> -> memref<128xi32, #tpu.memory_space<vmem>>
        %dma_wait3A_262 = arith.constant 0 : i32
        %dma_wait3A_263 = arith.constant 0 : i32
        %dma_wait3A_264 = tpu.memref_slice %arg15[%dma_wait3A_262, %dma_wait3A_263] : memref<10080x64xf32, #tpu.memory_space<vmem_shared>> -> memref<10080x64xf32, #tpu.memory_space<vmem_shared>>
        tpu.wait_indirect_dma semaphore(%run_scoped3A_252 : memref<!tpu.dma_semaphore, #tpu.memory_space<semaphore_mem>>) src(%arg9 : memref<128x64xf32, #tpu.memory_space<vmem>>) dst(%dma_wait3A_264 : memref<10080x64xf32, #tpu.memory_space<vmem_shared>>)
        tpu.yield
      }) : () -> ()
    }
    %scan3A_159 = arith.constant 79 : i32
    %barrier3A_160 = arith.constant 0 : index
    tpu.barrier barrier_id(%barrier3A_160)
    %add3A_161 = arith.constant 0 : i32
    %add3A_162 = arith.addi %mul3A_2, %add3A_161 : i32
    "tpu.region"() ({
      %run_scoped3A_241 = tpu.sem_alloc : memref<!tpu.dma_semaphore, #tpu.memory_space<semaphore_mem>>
      %dma_start3A = arith.constant 0 : i32
      %dma_start3A_242 = tpu.memref_slice %arg15[%add3A_162, %dma_start3A] : memref<10080x64xf32, #tpu.memory_space<vmem_shared>> -> memref<315x64xf32, #tpu.memory_space<vmem_shared>>
      %dma_start3A_243 = arith.constant 0 : i32
      %dma_start3A_244 = tpu.memref_slice %arg15[%add3A_162, %dma_start3A_243] : memref<10080x64xf32, #tpu.memory_space<vmem_shared>> -> memref<315x64xf32, #tpu.memory_space<vmem_shared>>
      tpu.enqueue_dma source(%dma_start3A_244 : memref<315x64xf32, #tpu.memory_space<vmem_shared>>) target(%arg10 : memref<315x64xf32, #tpu.memory_space<vmem>>) target_semaphore(%run_scoped3A_241 : memref<!tpu.dma_semaphore, #tpu.memory_space<semaphore_mem>>)
      %dma_wait3A = arith.constant 0 : i32
      %dma_wait3A_245 = tpu.memref_slice %arg15[%add3A_162, %dma_wait3A] : memref<10080x64xf32, #tpu.memory_space<vmem_shared>> -> memref<315x64xf32, #tpu.memory_space<vmem_shared>>
      %dma_wait3A_246 = arith.constant 0 : i32
      %dma_wait3A_247 = tpu.memref_slice %arg15[%add3A_162, %dma_wait3A_246] : memref<10080x64xf32, #tpu.memory_space<vmem_shared>> -> memref<315x64xf32, #tpu.memory_space<vmem_shared>>
      tpu.wait_dma2 semaphore(%run_scoped3A_241 : memref<!tpu.dma_semaphore, #tpu.memory_space<semaphore_mem>>) src(%dma_wait3A_247 : memref<315x64xf32, #tpu.memory_space<vmem_shared>>) dst(%arg10 : memref<315x64xf32, #tpu.memory_space<vmem>>)
      tpu.yield
    }) : () -> ()
    %mul3A_163 = arith.constant 630 : i32
    %mul3A_164 = arith.muli %arg1, %mul3A_163 : i32
    %mul3A_165 = arith.constant 630 : i32
    %mul3A_166 = arith.muli %arg1, %mul3A_165 : i32
    %jit3A_167 = arith.constant 128 : i32
    %div3A_168 = arith.divsi %mul3A_166, %jit3A_167 : i32
    %sign3A_169 = arith.constant 0 : i32
    %sign3A_170 = arith.cmpi sgt, %mul3A_166, %sign3A_169 : i32
    %sign3A_171 = arith.extui %sign3A_170 : i1 to i32
    %sign3A_172 = arith.constant 0 : i32
    %sign3A_173 = arith.cmpi slt, %mul3A_166, %sign3A_172 : i32
    %sign3A_174 = arith.extui %sign3A_173 : i1 to i32
    %sign3A_175 = arith.subi %sign3A_171, %sign3A_174 : i32
    %sign3A_176 = arith.constant 0 : i32
    %sign3A_177 = arith.cmpi sgt, %jit3A_167, %sign3A_176 : i32
    %sign3A_178 = arith.extui %sign3A_177 : i1 to i32
    %sign3A_179 = arith.constant 0 : i32
    %sign3A_180 = arith.cmpi slt, %jit3A_167, %sign3A_179 : i32
    %sign3A_181 = arith.extui %sign3A_180 : i1 to i32
    %sign3A_182 = arith.subi %sign3A_178, %sign3A_181 : i32
    %ne3A_183 = arith.cmpi ne, %sign3A_175, %sign3A_182 : i32
    %rem3A_184 = arith.remsi %mul3A_166, %jit3A_167 : i32
    %ne3A_185 = arith.constant 0 : i32
    %ne3A_186 = arith.cmpi ne, %rem3A_184, %ne3A_185 : i32
    %and3A_187 = arith.andi %ne3A_183, %ne3A_186 : i1
    %sub3A_188 = arith.constant 1 : i32
    %sub3A_189 = arith.subi %div3A_168, %sub3A_188 : i32
    %select_n3A_190 = arith.select %and3A_187, %sub3A_189, %div3A_168 : i32
    %mul3A_191 = arith.constant 128 : i32
    %mul3A_192 = arith.muli %mul3A_191, %select_n3A_190 : i32
    %sub3A_193 = arith.subi %mul3A_164, %mul3A_192 : i32
    %scan3A_194 = arith.constant 0 : i32
    %scan3A_195 = arith.constant 0 : i32
    %scan3A_196 = arith.constant 315 : i32
    %scan3A_197 = arith.addi %scan3A_195, %scan3A_196 : i32
    %scan3A_198 = arith.constant 1 : i32
    scf.for %scan3A_241 = %scan3A_195 to %scan3A_197 step %scan3A_198  : i32 {
      %add3A_242 = arith.constant 0 : i32
      %add3A_243 = arith.addi %sub3A_193, %add3A_242 : i32
      %add3A_244 = arith.addi %add3A_243, %scan3A_241 : i32
      %shift_right_arithmetic3A = arith.constant 7 : i32
      %shift_right_arithmetic3A_245 = arith.shrsi %add3A_244, %shift_right_arithmetic3A : i32
      %broadcast_in_dim3A_246 = vector.broadcast %shift_right_arithmetic3A_245 : i32 to vector<16xi32>
      %and3A_247 = arith.constant 127 : i32
      %and3A_248 = arith.andi %add3A_244, %and3A_247 : i32
      %broadcast_in_dim3A_249 = vector.broadcast %and3A_248 : i32 to vector<16xi32>
      %gather3A = tpu.vector_load_idx %arg12[%broadcast_in_dim3A_246, %broadcast_in_dim3A_249] : memref<6x128xf32, #tpu.memory_space<vmem>>[vector<16xi32>, vector<16xi32>], vector<16xf32>,
      %max3A = arith.constant 1.000000e+00 : f32
      %max3A_250 = vector.broadcast %max3A : f32 to vector<16xf32>
      %max3A_251 = arith.maximumf %gather3A, %max3A_250 : vector<16xf32>
      %div3A_252 = arith.constant 1.000000e+00 : f32
      %div3A_253 = vector.broadcast %div3A_252 : f32 to vector<16xf32>
      %div3A_254 = arith.divf %div3A_253, %max3A_251 : vector<16xf32>
      %get3A = arith.index_cast %scan3A_241 : i32 to index
      %get3A_255 = arith.constant 0 : index
      %get3A_256 = tpu.vector_load %arg10[%get3A, %get3A_255] {strides = array<i32>} : memref<315x64xf32, #tpu.memory_space<vmem>>, vector<16xf32>,
      %mul3A_257 = arith.mulf %get3A_256, %div3A_254 : vector<16xf32>
      %swap3A_258 = arith.index_cast %scan3A_241 : i32 to index
      %swap3A_259 = arith.constant 0 : index
      %swap3A_260 = tpu.vector_load %arg10[%swap3A_258, %swap3A_259] {strides = array<i32>} : memref<315x64xf32, #tpu.memory_space<vmem>>, vector<16xf32>,
      tpu.vector_store %arg10[%swap3A_258, %swap3A_259], %mul3A_257 {strides = array<i32>} : memref<315x64xf32, #tpu.memory_space<vmem>>, vector<16xf32>,
      %get3A_261 = arith.index_cast %scan3A_241 : i32 to index
      %get3A_262 = arith.constant 16 : index
      %get3A_263 = tpu.vector_load %arg10[%get3A_261, %get3A_262] {strides = array<i32>} : memref<315x64xf32, #tpu.memory_space<vmem>>, vector<16xf32>,
      %mul3A_264 = arith.mulf %get3A_263, %div3A_254 : vector<16xf32>
      %swap3A_265 = arith.index_cast %scan3A_241 : i32 to index
      %swap3A_266 = arith.constant 16 : index
      %swap3A_267 = tpu.vector_load %arg10[%swap3A_265, %swap3A_266] {strides = array<i32>} : memref<315x64xf32, #tpu.memory_space<vmem>>, vector<16xf32>,
      tpu.vector_store %arg10[%swap3A_265, %swap3A_266], %mul3A_264 {strides = array<i32>} : memref<315x64xf32, #tpu.memory_space<vmem>>, vector<16xf32>,
      %get3A_268 = arith.index_cast %scan3A_241 : i32 to index
      %get3A_269 = arith.constant 32 : index
      %get3A_270 = tpu.vector_load %arg10[%get3A_268, %get3A_269] {strides = array<i32>} : memref<315x64xf32, #tpu.memory_space<vmem>>, vector<16xf32>,
      %mul3A_271 = arith.mulf %get3A_270, %div3A_254 : vector<16xf32>
      %swap3A_272 = arith.index_cast %scan3A_241 : i32 to index
      %swap3A_273 = arith.constant 32 : index
      %swap3A_274 = tpu.vector_load %arg10[%swap3A_272, %swap3A_273] {strides = array<i32>} : memref<315x64xf32, #tpu.memory_space<vmem>>, vector<16xf32>,
      tpu.vector_store %arg10[%swap3A_272, %swap3A_273], %mul3A_271 {strides = array<i32>} : memref<315x64xf32, #tpu.memory_space<vmem>>, vector<16xf32>,
      %get3A_275 = arith.index_cast %scan3A_241 : i32 to index
      %get3A_276 = arith.constant 48 : index
      %get3A_277 = tpu.vector_load %arg10[%get3A_275, %get3A_276] {strides = array<i32>} : memref<315x64xf32, #tpu.memory_space<vmem>>, vector<16xf32>,
      %mul3A_278 = arith.mulf %get3A_277, %div3A_254 : vector<16xf32>
      %swap3A_279 = arith.index_cast %scan3A_241 : i32 to index
      %swap3A_280 = arith.constant 48 : index
      %swap3A_281 = tpu.vector_load %arg10[%swap3A_279, %swap3A_280] {strides = array<i32>} : memref<315x64xf32, #tpu.memory_space<vmem>>, vector<16xf32>,
      tpu.vector_store %arg10[%swap3A_279, %swap3A_280], %mul3A_278 {strides = array<i32>} : memref<315x64xf32, #tpu.memory_space<vmem>>, vector<16xf32>,
    }
    %scan3A_199 = arith.constant 315 : i32
    %run_scoped3A_200 = arith.constant 1 : i32
    "tpu.region"() ({
      %run_scoped3A_241 = tpu.sem_alloc : memref<!tpu.dma_semaphore, #tpu.memory_space<semaphore_mem>>
      %dma_start3A = arith.constant 0 : i32
      %dma_start3A_242 = tpu.memref_slice %arg6[%arg0, %run_scoped3A_200, %add3A_162, %dma_start3A] : memref<2x2x10080x64xf32, #tpu.memory_space<hbm>> -> memref<1x1x315x64xf32, #tpu.memory_space<hbm>>
      %dma_start3A_243 = tpu.memref_squeeze %dma_start3A_242 : memref<1x1x315x64xf32, #tpu.memory_space<hbm>> -> memref<315x64xf32, #tpu.memory_space<hbm>>
      %dma_start3A_244 = arith.constant 0 : i32
      %dma_start3A_245 = tpu.memref_slice %arg6[%arg0, %run_scoped3A_200, %add3A_162, %dma_start3A_244] : memref<2x2x10080x64xf32, #tpu.memory_space<hbm>> -> memref<1x1x315x64xf32, #tpu.memory_space<hbm>>
      %dma_start3A_246 = tpu.memref_squeeze %dma_start3A_245 : memref<1x1x315x64xf32, #tpu.memory_space<hbm>> -> memref<315x64xf32, #tpu.memory_space<hbm>>
      tpu.enqueue_dma source(%arg10 : memref<315x64xf32, #tpu.memory_space<vmem>>) target(%dma_start3A_246 : memref<315x64xf32, #tpu.memory_space<hbm>>) target_semaphore(%run_scoped3A_241 : memref<!tpu.dma_semaphore, #tpu.memory_space<semaphore_mem>>)
      %dma_wait3A = arith.constant 0 : i32
      %dma_wait3A_247 = tpu.memref_slice %arg6[%arg0, %run_scoped3A_200, %add3A_162, %dma_wait3A] : memref<2x2x10080x64xf32, #tpu.memory_space<hbm>> -> memref<1x1x315x64xf32, #tpu.memory_space<hbm>>
      %dma_wait3A_248 = tpu.memref_squeeze %dma_wait3A_247 : memref<1x1x315x64xf32, #tpu.memory_space<hbm>> -> memref<315x64xf32, #tpu.memory_space<hbm>>
      %dma_wait3A_249 = arith.constant 0 : i32
      %dma_wait3A_250 = tpu.memref_slice %arg6[%arg0, %run_scoped3A_200, %add3A_162, %dma_wait3A_249] : memref<2x2x10080x64xf32, #tpu.memory_space<hbm>> -> memref<1x1x315x64xf32, #tpu.memory_space<hbm>>
      %dma_wait3A_251 = tpu.memref_squeeze %dma_wait3A_250 : memref<1x1x315x64xf32, #tpu.memory_space<hbm>> -> memref<315x64xf32, #tpu.memory_space<hbm>>
      tpu.wait_dma2 semaphore(%run_scoped3A_241 : memref<!tpu.dma_semaphore, #tpu.memory_space<semaphore_mem>>) src(%arg10 : memref<315x64xf32, #tpu.memory_space<vmem>>) dst(%dma_wait3A_251 : memref<315x64xf32, #tpu.memory_space<hbm>>)
      tpu.yield
    }) : () -> ()
    %add3A_201 = arith.constant 315 : i32
    %add3A_202 = arith.addi %mul3A_2, %add3A_201 : i32
    "tpu.region"() ({
      %run_scoped3A_241 = tpu.sem_alloc : memref<!tpu.dma_semaphore, #tpu.memory_space<semaphore_mem>>
      %dma_start3A = arith.constant 0 : i32
      %dma_start3A_242 = tpu.memref_slice %arg15[%add3A_202, %dma_start3A] : memref<10080x64xf32, #tpu.memory_space<vmem_shared>> -> memref<315x64xf32, #tpu.memory_space<vmem_shared>>
      %dma_start3A_243 = arith.constant 0 : i32
      %dma_start3A_244 = tpu.memref_slice %arg15[%add3A_202, %dma_start3A_243] : memref<10080x64xf32, #tpu.memory_space<vmem_shared>> -> memref<315x64xf32, #tpu.memory_space<vmem_shared>>
      tpu.enqueue_dma source(%dma_start3A_244 : memref<315x64xf32, #tpu.memory_space<vmem_shared>>) target(%arg10 : memref<315x64xf32, #tpu.memory_space<vmem>>) target_semaphore(%run_scoped3A_241 : memref<!tpu.dma_semaphore, #tpu.memory_space<semaphore_mem>>)
      %dma_wait3A = arith.constant 0 : i32
      %dma_wait3A_245 = tpu.memref_slice %arg15[%add3A_202, %dma_wait3A] : memref<10080x64xf32, #tpu.memory_space<vmem_shared>> -> memref<315x64xf32, #tpu.memory_space<vmem_shared>>
      %dma_wait3A_246 = arith.constant 0 : i32
      %dma_wait3A_247 = tpu.memref_slice %arg15[%add3A_202, %dma_wait3A_246] : memref<10080x64xf32, #tpu.memory_space<vmem_shared>> -> memref<315x64xf32, #tpu.memory_space<vmem_shared>>
      tpu.wait_dma2 semaphore(%run_scoped3A_241 : memref<!tpu.dma_semaphore, #tpu.memory_space<semaphore_mem>>) src(%dma_wait3A_247 : memref<315x64xf32, #tpu.memory_space<vmem_shared>>) dst(%arg10 : memref<315x64xf32, #tpu.memory_space<vmem>>)
      tpu.yield
    }) : () -> ()
    %mul3A_203 = arith.constant 630 : i32
    %mul3A_204 = arith.muli %arg1, %mul3A_203 : i32
    %mul3A_205 = arith.constant 630 : i32
    %mul3A_206 = arith.muli %arg1, %mul3A_205 : i32
    %jit3A_207 = arith.constant 128 : i32
    %div3A_208 = arith.divsi %mul3A_206, %jit3A_207 : i32
    %sign3A_209 = arith.constant 0 : i32
    %sign3A_210 = arith.cmpi sgt, %mul3A_206, %sign3A_209 : i32
    %sign3A_211 = arith.extui %sign3A_210 : i1 to i32
    %sign3A_212 = arith.constant 0 : i32
    %sign3A_213 = arith.cmpi slt, %mul3A_206, %sign3A_212 : i32
    %sign3A_214 = arith.extui %sign3A_213 : i1 to i32
    %sign3A_215 = arith.subi %sign3A_211, %sign3A_214 : i32
    %sign3A_216 = arith.constant 0 : i32
    %sign3A_217 = arith.cmpi sgt, %jit3A_207, %sign3A_216 : i32
    %sign3A_218 = arith.extui %sign3A_217 : i1 to i32
    %sign3A_219 = arith.constant 0 : i32
    %sign3A_220 = arith.cmpi slt, %jit3A_207, %sign3A_219 : i32
    %sign3A_221 = arith.extui %sign3A_220 : i1 to i32
    %sign3A_222 = arith.subi %sign3A_218, %sign3A_221 : i32
    %ne3A_223 = arith.cmpi ne, %sign3A_215, %sign3A_222 : i32
    %rem3A_224 = arith.remsi %mul3A_206, %jit3A_207 : i32
    %ne3A_225 = arith.constant 0 : i32
    %ne3A_226 = arith.cmpi ne, %rem3A_224, %ne3A_225 : i32
    %and3A_227 = arith.andi %ne3A_223, %ne3A_226 : i1
    %sub3A_228 = arith.constant 1 : i32
    %sub3A_229 = arith.subi %div3A_208, %sub3A_228 : i32
    %select_n3A_230 = arith.select %and3A_227, %sub3A_229, %div3A_208 : i32
    %mul3A_231 = arith.constant 128 : i32
    %mul3A_232 = arith.muli %mul3A_231, %select_n3A_230 : i32
    %sub3A_233 = arith.subi %mul3A_204, %mul3A_232 : i32
    %scan3A_234 = arith.constant 0 : i32
    %scan3A_235 = arith.constant 0 : i32
    %scan3A_236 = arith.constant 315 : i32
    %scan3A_237 = arith.addi %scan3A_235, %scan3A_236 : i32
    %scan3A_238 = arith.constant 1 : i32
    scf.for %scan3A_241 = %scan3A_235 to %scan3A_237 step %scan3A_238  : i32 {
      %add3A_242 = arith.constant 315 : i32
      %add3A_243 = arith.addi %sub3A_233, %add3A_242 : i32
      %add3A_244 = arith.addi %add3A_243, %scan3A_241 : i32
      %shift_right_arithmetic3A = arith.constant 7 : i32
      %shift_right_arithmetic3A_245 = arith.shrsi %add3A_244, %shift_right_arithmetic3A : i32
      %broadcast_in_dim3A_246 = vector.broadcast %shift_right_arithmetic3A_245 : i32 to vector<16xi32>
      %and3A_247 = arith.constant 127 : i32
      %and3A_248 = arith.andi %add3A_244, %and3A_247 : i32
      %broadcast_in_dim3A_249 = vector.broadcast %and3A_248 : i32 to vector<16xi32>
      %gather3A = tpu.vector_load_idx %arg12[%broadcast_in_dim3A_246, %broadcast_in_dim3A_249] : memref<6x128xf32, #tpu.memory_space<vmem>>[vector<16xi32>, vector<16xi32>], vector<16xf32>,
      %max3A = arith.constant 1.000000e+00 : f32
      %max3A_250 = vector.broadcast %max3A : f32 to vector<16xf32>
      %max3A_251 = arith.maximumf %gather3A, %max3A_250 : vector<16xf32>
      %div3A_252 = arith.constant 1.000000e+00 : f32
      %div3A_253 = vector.broadcast %div3A_252 : f32 to vector<16xf32>
      %div3A_254 = arith.divf %div3A_253, %max3A_251 : vector<16xf32>
      %get3A = arith.index_cast %scan3A_241 : i32 to index
      %get3A_255 = arith.constant 0 : index
      %get3A_256 = tpu.vector_load %arg10[%get3A, %get3A_255] {strides = array<i32>} : memref<315x64xf32, #tpu.memory_space<vmem>>, vector<16xf32>,
      %mul3A_257 = arith.mulf %get3A_256, %div3A_254 : vector<16xf32>
      %swap3A_258 = arith.index_cast %scan3A_241 : i32 to index
      %swap3A_259 = arith.constant 0 : index
      %swap3A_260 = tpu.vector_load %arg10[%swap3A_258, %swap3A_259] {strides = array<i32>} : memref<315x64xf32, #tpu.memory_space<vmem>>, vector<16xf32>,
      tpu.vector_store %arg10[%swap3A_258, %swap3A_259], %mul3A_257 {strides = array<i32>} : memref<315x64xf32, #tpu.memory_space<vmem>>, vector<16xf32>,
      %get3A_261 = arith.index_cast %scan3A_241 : i32 to index
      %get3A_262 = arith.constant 16 : index
      %get3A_263 = tpu.vector_load %arg10[%get3A_261, %get3A_262] {strides = array<i32>} : memref<315x64xf32, #tpu.memory_space<vmem>>, vector<16xf32>,
      %mul3A_264 = arith.mulf %get3A_263, %div3A_254 : vector<16xf32>
      %swap3A_265 = arith.index_cast %scan3A_241 : i32 to index
      %swap3A_266 = arith.constant 16 : index
      %swap3A_267 = tpu.vector_load %arg10[%swap3A_265, %swap3A_266] {strides = array<i32>} : memref<315x64xf32, #tpu.memory_space<vmem>>, vector<16xf32>,
      tpu.vector_store %arg10[%swap3A_265, %swap3A_266], %mul3A_264 {strides = array<i32>} : memref<315x64xf32, #tpu.memory_space<vmem>>, vector<16xf32>,
      %get3A_268 = arith.index_cast %scan3A_241 : i32 to index
      %get3A_269 = arith.constant 32 : index
      %get3A_270 = tpu.vector_load %arg10[%get3A_268, %get3A_269] {strides = array<i32>} : memref<315x64xf32, #tpu.memory_space<vmem>>, vector<16xf32>,
      %mul3A_271 = arith.mulf %get3A_270, %div3A_254 : vector<16xf32>
      %swap3A_272 = arith.index_cast %scan3A_241 : i32 to index
      %swap3A_273 = arith.constant 32 : index
      %swap3A_274 = tpu.vector_load %arg10[%swap3A_272, %swap3A_273] {strides = array<i32>} : memref<315x64xf32, #tpu.memory_space<vmem>>, vector<16xf32>,
      tpu.vector_store %arg10[%swap3A_272, %swap3A_273], %mul3A_271 {strides = array<i32>} : memref<315x64xf32, #tpu.memory_space<vmem>>, vector<16xf32>,
      %get3A_275 = arith.index_cast %scan3A_241 : i32 to index
      %get3A_276 = arith.constant 48 : index
      %get3A_277 = tpu.vector_load %arg10[%get3A_275, %get3A_276] {strides = array<i32>} : memref<315x64xf32, #tpu.memory_space<vmem>>, vector<16xf32>,
      %mul3A_278 = arith.mulf %get3A_277, %div3A_254 : vector<16xf32>
      %swap3A_279 = arith.index_cast %scan3A_241 : i32 to index
      %swap3A_280 = arith.constant 48 : index
      %swap3A_281 = tpu.vector_load %arg10[%swap3A_279, %swap3A_280] {strides = array<i32>} : memref<315x64xf32, #tpu.memory_space<vmem>>, vector<16xf32>,
      tpu.vector_store %arg10[%swap3A_279, %swap3A_280], %mul3A_278 {strides = array<i32>} : memref<315x64xf32, #tpu.memory_space<vmem>>, vector<16xf32>,
    }
    %scan3A_239 = arith.constant 315 : i32
    %run_scoped3A_240 = arith.constant 1 : i32
    "tpu.region"() ({
      %run_scoped3A_241 = tpu.sem_alloc : memref<!tpu.dma_semaphore, #tpu.memory_space<semaphore_mem>>
      %dma_start3A = arith.constant 0 : i32
      %dma_start3A_242 = tpu.memref_slice %arg6[%arg0, %run_scoped3A_240, %add3A_202, %dma_start3A] : memref<2x2x10080x64xf32, #tpu.memory_space<hbm>> -> memref<1x1x315x64xf32, #tpu.memory_space<hbm>>
      %dma_start3A_243 = tpu.memref_squeeze %dma_start3A_242 : memref<1x1x315x64xf32, #tpu.memory_space<hbm>> -> memref<315x64xf32, #tpu.memory_space<hbm>>
      %dma_start3A_244 = arith.constant 0 : i32
      %dma_start3A_245 = tpu.memref_slice %arg6[%arg0, %run_scoped3A_240, %add3A_202, %dma_start3A_244] : memref<2x2x10080x64xf32, #tpu.memory_space<hbm>> -> memref<1x1x315x64xf32, #tpu.memory_space<hbm>>
      %dma_start3A_246 = tpu.memref_squeeze %dma_start3A_245 : memref<1x1x315x64xf32, #tpu.memory_space<hbm>> -> memref<315x64xf32, #tpu.memory_space<hbm>>
      tpu.enqueue_dma source(%arg10 : memref<315x64xf32, #tpu.memory_space<vmem>>) target(%dma_start3A_246 : memref<315x64xf32, #tpu.memory_space<hbm>>) target_semaphore(%run_scoped3A_241 : memref<!tpu.dma_semaphore, #tpu.memory_space<semaphore_mem>>)
      %dma_wait3A = arith.constant 0 : i32
      %dma_wait3A_247 = tpu.memref_slice %arg6[%arg0, %run_scoped3A_240, %add3A_202, %dma_wait3A] : memref<2x2x10080x64xf32, #tpu.memory_space<hbm>> -> memref<1x1x315x64xf32, #tpu.memory_space<hbm>>
      %dma_wait3A_248 = tpu.memref_squeeze %dma_wait3A_247 : memref<1x1x315x64xf32, #tpu.memory_space<hbm>> -> memref<315x64xf32, #tpu.memory_space<hbm>>
      %dma_wait3A_249 = arith.constant 0 : i32
      %dma_wait3A_250 = tpu.memref_slice %arg6[%arg0, %run_scoped3A_240, %add3A_202, %dma_wait3A_249] : memref<2x2x10080x64xf32, #tpu.memory_space<hbm>> -> memref<1x1x315x64xf32, #tpu.memory_space<hbm>>
      %dma_wait3A_251 = tpu.memref_squeeze %dma_wait3A_250 : memref<1x1x315x64xf32, #tpu.memory_space<hbm>> -> memref<315x64xf32, #tpu.memory_space<hbm>>
      tpu.wait_dma2 semaphore(%run_scoped3A_241 : memref<!tpu.dma_semaphore, #tpu.memory_space<semaphore_mem>>) src(%arg10 : memref<315x64xf32, #tpu.memory_space<vmem>>) dst(%dma_wait3A_251 : memref<315x64xf32, #tpu.memory_space<hbm>>)
      tpu.yield
    }) : () -> ()
    return
  }
}

module attributes {stable_mosaic.version = 14 : i64} {
  func.func @_combine_body(%arg0: i32, %arg1: memref<1000x64xf32, #tpu.memory_space<vmem>>, %arg2: memref<1000x64xf32, #tpu.memory_space<vmem>>, %arg3: memref<1000x64xf32, #tpu.memory_space<vmem>>, %arg4: memref<1000x64xf32, #tpu.memory_space<vmem>>, %arg5: memref<1000x128xf32, #tpu.memory_space<vmem>>, %arg6: memref<128x128xf32, #tpu.memory_space<vmem>>, %arg7: memref<128x128xf32, #tpu.memory_space<vmem>>, %arg8: memref<1x128xf32, #tpu.memory_space<vmem>>, %arg9: memref<1000x128xf32, #tpu.memory_space<vmem>>) attributes {dimension_semantics = [#tpu.dimension_semantics<arbitrary>], iteration_bounds = array<i64: 10>, scalar_prefetch = 0 : i64, scratch_operands = 0 : i64, tpu.core_type = #tpu.core_type<tc>, window_params = [{transform_indices = @transform_0, window_bounds = array<i64: 1000, 64>}, {transform_indices = @transform_1, window_bounds = array<i64: 1000, 64>}, {transform_indices = @transform_2, window_bounds = array<i64: 1000, 64>}, {transform_indices = @transform_3, window_bounds = array<i64: 1000, 64>}, {transform_indices = @transform_4, window_bounds = array<i64: 1000, 128>}, {pipeline_mode = #tpu.pipeline_mode<synchronous>, transform_indices = @transform_5, window_bounds = array<i64: 128, 128>}, {pipeline_mode = #tpu.pipeline_mode<synchronous>, transform_indices = @transform_6, window_bounds = array<i64: 128, 128>}, {pipeline_mode = #tpu.pipeline_mode<synchronous>, transform_indices = @transform_7, window_bounds = array<i64: 1, 128>}, {transform_indices = @transform_8, window_bounds = array<i64: 1000, 128>}]} {
    %get3A = arith.constant 0 : index
    %get3A_0 = arith.constant 0 : index
    %get3A_1 = vector.load %arg1[%get3A, %get3A_0] : memref<1000x64xf32, #tpu.memory_space<vmem>>, vector<1000x64xf32>
    %get3A_2 = arith.constant 0 : index
    %get3A_3 = arith.constant 0 : index
    %get3A_4 = vector.load %arg2[%get3A_2, %get3A_3] : memref<1000x64xf32, #tpu.memory_space<vmem>>, vector<1000x64xf32>
    %add3A = arith.addf %get3A_1, %get3A_4 : vector<1000x64xf32>
    %get3A_5 = arith.constant 0 : index
    %get3A_6 = arith.constant 0 : index
    %get3A_7 = vector.load %arg3[%get3A_5, %get3A_6] : memref<1000x64xf32, #tpu.memory_space<vmem>>, vector<1000x64xf32>
    %get3A_8 = arith.constant 0 : index
    %get3A_9 = arith.constant 0 : index
    %get3A_10 = vector.load %arg4[%get3A_8, %get3A_9] : memref<1000x64xf32, #tpu.memory_space<vmem>>, vector<1000x64xf32>
    %add3A_11 = arith.addf %get3A_7, %get3A_10 : vector<1000x64xf32>
    %concatenate3A = tpu.concatenate %add3A, %add3A_11 in 1 : vector<1000x64xf32>, vector<1000x64xf32> -> vector<1000x128xf32>
    %get3A_12 = arith.constant 0 : index
    %get3A_13 = arith.constant 0 : index
    %get3A_14 = vector.load %arg6[%get3A_12, %get3A_13] : memref<128x128xf32, #tpu.memory_space<vmem>>, vector<128x128xf32>
    %dot_general3A = arith.constant dense<0.000000e+00> : vector<1000x128xf32>
    %dot_general3A_15 = tpu.matmul %concatenate3A, %get3A_14, %dot_general3A {dimension_numbers = #tpu.dot_dimension_numbers<[1], [1], [0], [0], [0, 0, 1, 0], [], []>, transpose_lhs_hint = false} : vector<1000x128xf32>, vector<128x128xf32>, vector<1000x128xf32> -> vector<1000x128xf32>
    %get3A_16 = arith.constant 0 : index
    %get3A_17 = arith.constant 0 : index
    %get3A_18 = vector.load %arg5[%get3A_16, %get3A_17] : memref<1000x128xf32, #tpu.memory_space<vmem>>, vector<1000x128xf32>
    %get3A_19 = arith.constant 0 : index
    %get3A_20 = arith.constant 0 : index
    %get3A_21 = vector.load %arg7[%get3A_19, %get3A_20] : memref<128x128xf32, #tpu.memory_space<vmem>>, vector<128x128xf32>
    %dot_general3A_22 = arith.constant dense<0.000000e+00> : vector<1000x128xf32>
    %dot_general3A_23 = tpu.matmul %get3A_18, %get3A_21, %dot_general3A_22 {dimension_numbers = #tpu.dot_dimension_numbers<[1], [1], [0], [0], [0, 0, 1, 0], [], []>, transpose_lhs_hint = false} : vector<1000x128xf32>, vector<128x128xf32>, vector<1000x128xf32> -> vector<1000x128xf32>
    %add3A_24 = arith.addf %dot_general3A_15, %dot_general3A_23 : vector<1000x128xf32>
    %get3A_25 = arith.constant 0 : index
    %get3A_26 = arith.constant 0 : index
    %get3A_27 = vector.load %arg8[%get3A_25, %get3A_26] : memref<1x128xf32, #tpu.memory_space<vmem>>, vector<1x128xf32>
    %add3A_28 = vector.broadcast %get3A_27 : vector<1x128xf32> to vector<1000x128xf32>
    %add3A_29 = arith.addf %add3A_24, %add3A_28 : vector<1000x128xf32>
    %max3A = arith.constant 0.000000e+00 : f32
    %max3A_30 = vector.broadcast %max3A : f32 to vector<1000x128xf32>
    %max3A_31 = arith.maximumf %add3A_29, %max3A_30 : vector<1000x128xf32>
    %swap3A = arith.constant 0 : index
    %swap3A_32 = arith.constant 0 : index
    %swap3A_33 = vector.load %arg9[%swap3A, %swap3A_32] : memref<1000x128xf32, #tpu.memory_space<vmem>>, vector<1000x128xf32>
    tpu.vector_store %arg9[%swap3A, %swap3A_32], %max3A_31 {strides = array<i32>} : memref<1000x128xf32, #tpu.memory_space<vmem>>, vector<1000x128xf32>,
    return
  }
  func.func @transform_0(%arg0: i32) -> (i32, i32) {
    %c0_i32 = arith.constant 0 : i32
    %c0_i32_0 = arith.constant 0 : i32
    return %arg0, %c0_i32 : i32, i32
  }
  func.func @transform_1(%arg0: i32) -> (i32, i32) {
    %c0_i32 = arith.constant 0 : i32
    %c0_i32_0 = arith.constant 0 : i32
    return %arg0, %c0_i32 : i32, i32
  }
  func.func @transform_2(%arg0: i32) -> (i32, i32) {
    %c0_i32 = arith.constant 0 : i32
    %c0_i32_0 = arith.constant 0 : i32
    return %arg0, %c0_i32 : i32, i32
  }
  func.func @transform_3(%arg0: i32) -> (i32, i32) {
    %c0_i32 = arith.constant 0 : i32
    %c0_i32_0 = arith.constant 0 : i32
    return %arg0, %c0_i32 : i32, i32
  }
  func.func @transform_4(%arg0: i32) -> (i32, i32) {
    %c0_i32 = arith.constant 0 : i32
    %c0_i32_0 = arith.constant 0 : i32
    return %arg0, %c0_i32 : i32, i32
  }
  func.func @transform_5(%arg0: i32) -> (i32, i32) {
    %c0_i32 = arith.constant 0 : i32
    %c0_i32_0 = arith.constant 0 : i32
    %c0_i32_1 = arith.constant 0 : i32
    return %c0_i32, %c0_i32_0 : i32, i32
  }
  func.func @transform_6(%arg0: i32) -> (i32, i32) {
    %c0_i32 = arith.constant 0 : i32
    %c0_i32_0 = arith.constant 0 : i32
    %c0_i32_1 = arith.constant 0 : i32
    return %c0_i32, %c0_i32_0 : i32, i32
  }
  func.func @transform_7(%arg0: i32) -> (i32, i32) {
    %c0_i32 = arith.constant 0 : i32
    %c0_i32_0 = arith.constant 0 : i32
    %c0_i32_1 = arith.constant 0 : i32
    return %c0_i32, %c0_i32_0 : i32, i32
  }
  func.func @transform_8(%arg0: i32) -> (i32, i32) {
    %c0_i32 = arith.constant 0 : i32
    %c0_i32_0 = arith.constant 0 : i32
    return %arg0, %c0_i32 : i32, i32
  }
}

</mosaic_0001>

<sc_bundles>
// kernel: kernel.4.cloned.1.call-start
scs
__scs_entry_jumppad:
0x0: {  	(pc) =	sbr.rel $0x88, $3  }
0x1: {  	(tag) =	ssettag $0x0;
	lr =	simm.s32 $0x1  }
0x2: {  	[smem:$0x3F9C] =	sst lr;
	_ =	strace $0xD0000000  }
0x3: {  	_ = 	snop  }
0x4: {  	_ = 	snop  }
0x5: {  	_ = 	snop  }
0x6: {  	_ = 	snop  }
0x7: {  	_ = 	snop  }
__scs_overlays_trampoline_lowered:
0x8: {  	[smem:$0x3FAB] =	sst s0  }
0x9: {  	[smem:$0x3FAC] =	sst s1  }
0xa: {  	[smem:$0x3FAD] =	sst s2  }
0xb: {  	[smem:$0x3FAE] =	sst s3  }
0xc: {  	[smem:$0x3FAF] =	sst s4  }
0xd: {  	[smem:$0x3FB0] =	sst s5  }
0xe: {  	[smem:$0x3FB1] =	sst s6  }
0xf: {  	[smem:$0x3FB2] =	sst s7  }
0x10: {  	[smem:$0x3FB3] =	sst s8  }
0x11: {  	[smem:$0x3FB4] =	sst s9;
	s0 =	simm.s32 @!p0 $0x0  }
0x12: {  	s1 =	sld [smem:$0x3F9A];
	s0 =	simm.s32 @p0 $0x1  }
0x13: {  	[smem:$0x3FB5] =	sst s0;
	s0 =	simm.s32 @!p1 $0x0  }
0x14: {  	s2 =	sld [smem:$0x3F99];
	s0 =	simm.s32 @p1 $0x1  }
0x15: {  	[smem:$0x3FB6] =	sst s0;
	s0 =	simm.s32 @!p2 $0x0  }
0x16: {  	s3 =	sld [smem:$0x3FDB];
	s0 =	simm.s32 @p2 $0x1  }
0x17: {  	s4 =	simm.s32 $0x1BF5;
	[smem:$0x3FB8] =	sst s0  }
0x18: {  	s0 =	sld [smem:$0x3F9B];
	_ =	swait.ge [sflag:s4], $0x0  }
0x19: {  	s7 =	sld [smem:$0x3F9C]  }
0x1a: {  	s8 =	sadd.s32 $0xFFFFE003, lr  }
0x1b: {  	s9 =	sadd.s32 $0xFFFFFEF7, lr;
	s5 =	simm.s32 $0xFFFFFFFF;
	p2 =	slt.u32 s8, $0xFFFFF086  }
0x1c: {  	p1 =	slt.u32 s9, $0xF7A;
	s5 =	simm.s32 @!p2 $0x0  }
0x1d: {  	s5 =	simm.s32 @p1 $0x1;
	p0 =	seq.s32 s7, s2  }
0x1e: {  	s7 =	smul.u32 @!p0 $0xF7A, s2;
	p2 =	seq.s32 @!p0 s5, $0x0  }
0x1f: {  	s9 =	smul.u32 $0xF7A, s1;
	s8 =	simm.s32 @!p0 $0x1BF5;
	p2 =	por !p2, p0  }
0x20: {  	[sflag:s8] =	ssyncset.s32 @!p0 $0xFFFFF086;
	s6 =	sadd.s32 @!p0 s3, s7;
	s7 =	simm.s32 @!p0 $0x108  }
0x21: {  	s3 =	sadd.s32 s3, s9;
	s6 =	sadd.s32 @!p0 $0x88, s6;
	s7 =	simm.s32 @p2 $0x1082  }
0x22: {  	[simem:s7], [sflag:s8] =	dma.local @!p0 [hbm:s6], $0xF7A  }
0x23: {  	s9 =	sor.u32 $0xD0000000, s2;
	s6 =	simm.s32 $0x108;
	_ =	swait.ge @!p0 [sflag:s8], $0x0  }
0x24: {  	s3 =	sadd.s32 $0x88, s3;
	s6 =	simm.s32 @!p1 $0x1082;
	[sflag:s4] =	ssyncset.s32 $0xFFFFF086  }
0x25: {  	[simem:s6], [sflag:s4] =	dma.local [hbm:s3], $0xF7A  }
0x26: {  	[smem:$0x3F9C] =	sst s1;
	(tag) =	ssettag s2;
	_ =	strace s9  }
0x27: {  	s1 =	sld [smem:$0x3FAC]  }
0x28: {  	s2 =	sld [smem:$0x3FAD]  }
0x29: {  	s4 =	sld [smem:$0x3FAF]  }
0x2a: {  	p0 =	seq.s32 s5, $0x0;
	s5 =	sld [smem:$0x3FB0]  }
0x2b: {  	s6 =	sld [smem:$0x3FB1]  }
0x2c: {  	s7 =	sld [smem:$0x3FB2]  }
0x2d: {  	s3 =	simm.s32 $0x108;
	s8 =	sld [smem:$0x3FB3]  }
0x2e: {  	s3 =	simm.s32 @!p0 $0x1082;
	s9 =	sld [smem:$0x3FB4]  }
0x2f: {  	lr =	sadd.s32 s0, s3;
	s0 =	sld [smem:$0x3FAB]  }
0x30: {  	s3 =	sld [smem:$0x3FAE]  }
0x31: {  	[smem:$0x3FB7] =	sst s10  }
0x32: {  	s10 =	sld [smem:$0x3FB5];
	_ =	sdelay $0x3  }
0x33: {  	p0 =	seq.s32 s10, $0x1;
	s10 =	sld [smem:$0x3FB7];
	_ =	sdelay $0x3  }
0x34: {  	[smem:$0x3FB7] =	sst s10  }
0x35: {  	s10 =	sld [smem:$0x3FB6];
	_ =	sdelay $0x3  }
0x36: {  	p1 =	seq.s32 s10, $0x1;
	s10 =	sld [smem:$0x3FB7];
	_ =	sdelay $0x3  }
0x37: {  	[smem:$0x3FB7] =	sst s10  }
0x38: {  	s10 =	sld [smem:$0x3FB8]  }
0x39: {  	_ = 	snop;
	(pc) =	sbr.ind lr, $3  }
0x3a: {  	_ = 	snop  }
0x3b: {  	_ = 	snop  }
0x3c: {  	p2 =	seq.s32 s10, $0x1;
	s10 =	sld [smem:$0x3FB7]  }
0x3d: {  	_ =	shalt  }
0x3e: {  	_ =	shalt  }
0x3f: {  	_ =	shalt  }
0x40: {  	_ =	shalt  }
0x41: {  	_ =	shalt  }
0x42: {  	_ =	shalt  }
0x43: {  	_ =	shalt  }
0x44: {  	_ =	shalt  }
0x45: {  	_ =	shalt  }
0x46: {  	_ =	shalt  }
0x47: {  	_ =	shalt  }
0x48: {  	_ =	shalt  }
0x49: {  	_ =	shalt  }
0x4a: {  	_ =	shalt  }
0x4b: {  	_ =	shalt  }
0x4c: {  	_ =	shalt  }
0x4d: {  	_ =	shalt  }
0x4e: {  	_ =	shalt  }
0x4f: {  	_ =	shalt  }
0x50: {  	_ =	shalt  }
0x51: {  	_ =	shalt  }
0x52: {  	_ =	shalt  }
0x53: {  	_ =	shalt  }
0x54: {  	_ =	shalt  }
0x55: {  	_ =	shalt  }
0x56: {  	_ =	shalt  }
0x57: {  	_ =	shalt  }
0x58: {  	_ =	shalt  }
0x59: {  	_ =	shalt  }
0x5a: {  	_ =	shalt  }
0x5b: {  	_ =	shalt  }
0x5c: {  	_ =	shalt  }
0x5d: {  	_ =	shalt  }
0x5e: {  	_ =	shalt  }
0x5f: {  	_ =	shalt  }
0x60: {  	_ =	shalt  }
0x61: {  	_ =	shalt  }
0x62: {  	_ =	shalt  }
0x63: {  	_ =	shalt  }
0x64: {  	_ =	shalt  }
0x65: {  	_ =	shalt  }
0x66: {  	_ =	shalt  }
0x67: {  	_ =	shalt  }
0x68: {  	_ =	shalt  }
0x69: {  	_ =	shalt  }
0x6a: {  	_ =	shalt  }
0x6b: {  	_ =	shalt  }
0x6c: {  	_ =	shalt  }
0x6d: {  	_ =	shalt  }
0x6e: {  	_ =	shalt  }
0x6f: {  	_ =	shalt  }
0x70: {  	_ =	shalt  }
0x71: {  	_ =	shalt  }
0x72: {  	_ =	shalt  }
0x73: {  	_ =	shalt  }
0x74: {  	_ =	shalt  }
0x75: {  	_ =	shalt  }
0x76: {  	_ =	shalt  }
0x77: {  	_ =	shalt  }
0x78: {  	_ =	shalt  }
0x79: {  	_ =	shalt  }
0x7a: {  	_ =	shalt  }
0x7b: {  	_ =	shalt  }
0x7c: {  	_ =	shalt  }
0x7d: {  	_ =	shalt  }
0x7e: {  	_ =	shalt  }
0x7f: {  	_ =	shalt  }
0x80: {  	_ =	shalt  }
0x81: {  	_ =	shalt  }
0x82: {  	_ =	shalt  }
0x83: {  	_ =	shalt  }
0x84: {  	_ =	shalt  }
0x85: {  	_ =	shalt  }
0x86: {  	_ =	shalt  }
0x87: {  	_ =	shalt  }
.Lfunc_end0:
.L_simem_size_0:
called_computation_lowered:
.L_overlay_start_0:
0x88: {  	s2 =	sld [smem:$0x3FD9]  }
0x89: {  	s3 =	sld [smem:$0x3FFE];
	_ =	sdelay $0x1  }
0x8a: {  	s1 =	srdreg.scid  }
0x8b: {  	s0 =	sand.u32 $0x1, s1  }
0x8c: {  	s17 =	sshll.u32 s0, $0xA;
	s2 =	sadd.s32 s3, s2  }
0x8d: {  	s2 =	sadd.s32 s2, s17  }
0x8e: {  	[smem:$0x3FC3] =	sst s2  }
0x8f: {  	_ = 	snop  }
0x90: {  	s2 =	sld [smem:$0x3FD0];
	(tm) =	ssettm $0x1  }
0x91: {  	s18 =	sld [smem:$0x3FFB];
	_ =	sdelay $0x3  }
0x92: {  	_ =	strace s18  }
0x93: {  	s3 =	sld [smem:$0x3FFC];
	_ =	sdelay $0x3  }
0x94: {  	_ =	strace s3  }
0x95: {  	s3 =	sld [smem:$0x3FFD];
	_ =	sdelay $0x3  }
0x96: {  	_ =	strace s3  }
0x97: {  	_ =	strace $0x8FFFFFFF  }
0x98: {  	s19 =	sld [smem:$0x3FDB];
	_ =	sdelay $0x1  }
0x99: {  	s4 =	simm.s32 $_scs_section_size  }
0x9a: {  	s5 =	simm.s32 $_size__tile_overlayer_lowered;
	s6 =	simm.s32 $_tile_overlayer_lowered  }
0x9b: {  	s22 =	simm.s32 $0x1BFF;
	s21 =	sshll.u32 s6, $0x1;
	s3 =	sadd.s32 s4, s19  }
0x9c: {  	s7 =	simm.s32 $0x0;
	s20 =	sshll.u32 s5, $0x1;
	s5 =	sadd.s32 s21, s3  }
0x9d: {  	[timem:s7], [sflag:s22] =	dma.local [hbm:s5], s20  }
0x9e: {  	_ =	swait.ge [sflag:s22], s20  }
0x9f: {  	s4 =	ssub.s32 $0x0, s20;
	[sflag:s22] =	ssyncset.done $0x0  }
0xa0: {  	[sflag:s22] =	ssyncadd.s32 s4;
	_ =	sdelay $0x1  }
0xa1: {  	s23 =	simm.s32 $0x1B8B  }
0xa2: {  	_ =	swait.ge [sflag:s23], $0x1  }
0xa3: {  	[sflag:s23] =	ssyncset.done $0x0  }
0xa4: {  	s25 =	simm.s32 $0x1B8E;
	s24 =	sld [smem:$0x3FFE];
	[sflag:s23] =	ssyncadd.s32 $0xFFFFFFFF  }
0xa5: {  	s26 =	simm.s32 $execute0_lowered;
	[smem:$0x3FD2] =	sst s25  }
0xa6: {  	s5 =	sshll.u32 s26, $0x1;
	_ =	strace $0x80000046;
	[dreg:$0x1] =	wrdreg $0xFFFFFFFF  }
0xa7: {  	s28 =	simm.s32 $_size_execute0_lowered;
	s3 =	sadd.s32 s3, s5;
	[dreg:$0x0] =	wrdreg $0x0  }
0xa8: {  	s5 =	sshll.u32 s28, $0x1;
	[dreg:$0x2] =	wrdreg s3  }
0xa9: {  	[dreg:$0x3] =	wrdreg s5  }
0xaa: {  	[dreg:$0x4] =	wrdreg $0xC0  }
0xab: {  	_ =	task [dreg:s7], $0x5FFFF  }
0xac: {  	[dreg:$0x1] =	wrdreg $0xFFFFFFFF  }
0xad: {  	[dreg:$0x0] =	wrdreg $0x60  }
0xae: {  	[dreg:$0x2] =	wrdreg s2  }
0xaf: {  	[dreg:$0x3] =	wrdreg s24  }
0xb0: {  	[dreg:$0x4] =	wrdreg $0x15F500  }
0xb1: {  	[dreg:$0x5] =	wrdreg $0x1FCD00  }
0xb2: {  	[dreg:$0x6] =	wrdreg $0x9  }
0xb3: {  	_ =	task.clear_ibuf [dreg:s7], $0x7FFFF;
	_ =	strace $0x90000046  }
0xb4: {  	s29 =	simm.s32 $0x9;
	_ =	strace $0x80000048  }
0xb5: {  	_ =	swait.ge [sflag:s29], $0x1  }
0xb6: {  	[sflag:s29] =	ssyncadd.s32 $0xFFFFFFFF  }
0xb7: {  	_ =	strace $0x90000048  }
0xb8: {  	_ =	sfence  }
0xb9: {  	s30 =	sld [smem:$0x0];
	_ =	sdelay $0x2  }
0xba: {  	s31 =	sshll.u32 s1, $0xD;
	s1 =	sshrl.u32 s1, $0x2  }
0xbb: {  	s3 =	sand.u32 $0x4000, s31;
	s1 =	sadd.s32 s1, s30  }
0xbc: {  	s0 =	sor.u32 s3, s0;
	s1 =	sshll.u32 s1, $0x11  }
0xbd: {  	s0 =	sor.u32 s1, s0  }
0xbe: {  	s0 =	sadd.s32 $0x8F2B, s0  }
0xbf: {  	[sflag:s0] =	ssyncadd.remote.s32 $0x1  }
0xc0: {  	_ =	sfence.sel $0xFFFF  }
0xc1: {  	[dreg:$0x0] =	wrdreg $0xFFFFFFFF;
	(pc) =	sbr.abs _section_cstart, $3  }
0xc2: {  	[dreg:$0x1] =	wrdreg $0xFFFFFFFF  }
0xc3: {  	_ =	task.clear_ibuf [dreg:s7], $0x2FFFF;
	_ =	strace $0x9FFFFFFF  }
0xc4: {  	(tm) =	ssettm $0x7FFFFFFF  }
0xc5: {  	_ =	shalt  }
tec
execute0_lowered:
.L_overlay_start_1:
0x0: {  	(tag) =	ssettag $0x1  }
0x1: {  	s1 =	rddreg [dreg:$0x0]  }
0x2: {  	s0 =	rddreg [dreg:$0x1]  }
0x3: {  	s3 =	rddreg [dreg:$0x2];
	s2 =	srdreg.scid  }
0x4: {  	s9 =	stileid.u32;
	s16 =	rddreg [dreg:$0x3];
	s5 =	simm.s32 $0x0  }
0x5: {  	s21 =	simm.s32 $0xE540;
	s22 =	simm.s32 $0x2;
	s24 =	smul.u32 $0x9E0, s9  }
0x6: {  	s23 =	simm.s32 $0x13700;
	s28 =	simm.s32 $0x1;
	s15 =	smul.u32 $0x276, s9  }
0x7: {  	s30 =	simm.s32 $0x15F00;
	s31 =	simm.s32 $0x13400;
	s13 =	smul.u32 $0x9D80, s9  }
0x8: {  	s2 =	sand.u32 $0x1, s2;
	s4 =	sshll.u32 s9, $0x1;
	s9 =	smul.u32 $0xA00, s9  }
0x9: {  	[smem:$0x7FF] =	sst s5;
	s6 =	sadd.s32 $0x800, s0;
	s11 =	smul.u32 $0x9E00, s2  }
0xa: {  	s4 =	sor.u32 s2, s4;
	s7 =	ssub.s32 $0x2, s2;
	s2 =	smul.u32 $0x13B000, s2  }
0xb: {  	_ =	strace $0x80000047;
	s4 =	smul.u32 $0x4F0, s4;
	s5 =	sadd.s32 s24, s0  }
0xc: {  	s8 =	sshrl.u32 s7, $0x1;
	s14 =	sadd.s32 $0x4EC0, s13;
	s9 =	sshrl.u32 s9, $0x2  }
0xd: {  	s29 =	sand.u32 $0x3F80, s15;
	s15 =	sand.u32 $0x7E, s15;
	s19 =	ssub.s32 s7, s8  }
0xe: {  	s7 =	sadd.s32 s13, s3;
	s8 =	sadd.s32 s14, s3;
	s9 =	sadd.s32 s9, s16  }
0xf: {  	s25 =	sshrl.u32 s11, $0x2;
	s11 =	sadd.s32 $0x14200, s5;
	s26 =	sadd.s32 s13, s2  }
0x10: {  	s2 =	sadd.s32 s2, s14;
	s13 =	sadd.s32 s29, s16;
	s20 =	sadd.s32 $0x13B, s15  }
0x11: {  	s4 =	sadd.s32 s4, s0;
	s0 =	sadd.s32 $0x27E00, s0;
	s12 =	sadd.s32 $0x2780, s25  }
0x12: {  	s2 =	sshrl.u32 s2, $0x3;
	s19 =	smax.u32 s19, $0x1;
	s25 =	simm.s32 $0x80  }
0x13: {  	v0 =	vlaneseq.u32;
	s10 =	sadd.s32 $0x1E000, s4;
	s4 =	sshrl.u32 s26, $0x3;
	s16 =	sadd.s32 s0, s2  }
0x14: {  	v1 =	vimm.f32 $0.0e+00;
	v6 =	vimm.f32 $1.000000000e+00;
	v2 =	vor.u32 $0x10, v0;
	s26 =	simm.s32 $0x7680;
	s2 =	simm.s32 $0x9680;
	s14 =	sadd.s32 s0, s4  }
0x15: {  	v3 =	vor.u32 $0x20, v0;
	v4 =	vor.u32 $0x30, v0;
	v5 =	vor.u32 $0x40, v0;
	s18 =	sadd.s32 $0x13B00, s16;
	s0 =	simm.s32 $0x0;
	s17 =	sadd.s32 $0x13B00, s14  }
.LBB2_1:
0x16: {  	s4 =	simm.s32 $0x0  }
.LBB2_2:
0x17: {  	p0 =	sne.s32 s4, $0x13A00  }
.Ltmp0:
0x18: {  	s5 =	sshra.s32 s4, $0x2;
	(pc) =	sbr.rel @p0 .LBB2_2-.Ltmp0, $4  }
0x19: {  	[tilespmem:s5+$0xE540] =	vst v1  }
0x1a: {  	[tilespmem:s5+$0xE550] =	vst v1  }
0x1b: {  	[tilespmem:s5+$0xE560] =	vst v1  }
0x1c: {  	s4 =	sadd.s32 $0x100, s4;
	[tilespmem:s5+$0xE570] =	vst v1  }
0x1d: {  	s4 =	simm.s32 $0x0;
	s5 =	simm.s32 $0x200  }
.LBB2_4:
0x1e: {  	p0 =	sne.s32 s5, $0x9E00;
	[tilespmem:s4+$0x13770] =	vst v1  }
0x1f: {  	[tilespmem:s4+$0x13700] =	vst v1  }
0x20: {  	[tilespmem:s4+$0x13710] =	vst v1  }
.Ltmp1:
0x21: {  	[tilespmem:s4+$0x13720] =	vst v1;
	(pc) =	sbr.rel @p0 .LBB2_4-.Ltmp1, $4  }
0x22: {  	[tilespmem:s4+$0x13730] =	vst v1  }
0x23: {  	[tilespmem:s4+$0x13740] =	vst v1  }
0x24: {  	[tilespmem:s4+$0x13750] =	vst v1  }
0x25: {  	[tilespmem:s4+$0x13760] =	vst v1;
	s4 =	sshra.s32 s5, $0x2;
	s5 =	sadd.s32 $0x200, s5  }
0x26: {  	[tilespmem:s4+$0x13770] =	vst v1  }
0x27: {  	[tilespmem:s4+$0x13700] =	vst v1  }
0x28: {  	[tilespmem:s4+$0x13710] =	vst v1  }
0x29: {  	[tilespmem:s4+$0x13720] =	vst v1  }
0x2a: {  	[tilespmem:s4+$0x13730] =	vst v1  }
0x2b: {  	[tilespmem:s4+$0x13740] =	vst v1  }
0x2c: {  	[tilespmem:s4+$0x13750] =	vst v1  }
0x2d: {  	[tilespmem:s4+$0x13760] =	vst v1  }
0x2e: {  	[tilespmem:$0x15F00] =	vst v0  }
0x2f: {  	[tilespmem:$0x15F10] =	vst v2  }
0x30: {  	[tilespmem:$0x15F20] =	vst v3  }
0x31: {  	[tilespmem:$0x15F30] =	vst v4  }
0x32: {  	[tilespmem:$0x15F40] =	vst v5  }
0x33: {  	[spmem:s7] =	stream.linear.scatter [tilespmem:s21], [sflag:$0x2], $0x4EC0, $0x38;
	[tilespmem:$0x1FF50] =	vst v63  }
0x34: {  	_ =	swait.ge [sflag:s22], $0x4EC0  }
0x35: {  	[sflag:s22] =	ssyncset.done $0x0  }
0x36: {  	[sflag:s22] =	ssyncadd.s32 $0xFFFFB140  }
0x37: {  	[spmem:s8] =	stream.linear.scatter [tilespmem:s21], [sflag:$0x2], $0x4EC0, $0x38;
	[tilespmem:$0x1FF50] =	vst v63  }
0x38: {  	_ =	swait.ge [sflag:s22], $0x4EC0  }
0x39: {  	[sflag:s22] =	ssyncset.done $0x0  }
0x3a: {  	[sflag:s22] =	ssyncadd.s32 $0xFFFFB140  }
0x3b: {  	[spmem:s9] =	stream.linear.scatter [tilespmem:s23], [sflag:$0x2], $0x280, $0x38;
	[tilespmem:$0x1FF50] =	vst v63  }
0x3c: {  	_ =	swait.ge [sflag:s22], $0x280  }
0x3d: {  	[sflag:s22] =	ssyncset.done $0x0  }
0x3e: {  	s5 =	simm.s32 $0x0;
	[sflag:s22] =	ssyncadd.s32 $0xFFFFFD80  }
0x3f: {  	[tilespmem:s5], [sflag:$0x2] =	stream.linear.gather [hbm4b:s10+s5], $0x2780, $0x38;
	[tilespmem:$0x1FF50] =	vst v63  }
0x40: {  	_ =	swait.ge [sflag:s22], $0x2780  }
0x41: {  	[sflag:s22] =	ssyncset.done $0x0  }
0x42: {  	s29 =	simm.s32 $0x2780;
	[sflag:s22] =	ssyncadd.s32 $0xFFFFD880  }
0x43: {  	[tilespmem:s29], [sflag:$0x2] =	stream.linear.gather [hbm4b:s11+s5], $0x4F00, $0x38;
	[tilespmem:$0x1FF50] =	vst v63  }
0x44: {  	_ =	swait.ge [sflag:s22], $0x4F00  }
0x45: {  	[sflag:s22] =	ssyncset.done $0x0  }
0x46: {  	[sflag:s22] =	ssyncadd.s32 $0xFFFFB100  }
0x47: {  	[bflag:$0x0] =	sbarrier.arrive $0xFFFF  }
.LBB2_6:
0x48: {  	s4 =	sshra.s32 s5, $0x2  }
0x49: {  	[tilespmem:s26], [sflag:$0x1] =	stream.indirect.gather [hbm4b:s1+s25], $0x40, s4, s25, $0xb8;
	[tilespmem:$0x1FF50] =	vst v63  }
0x4a: {  	_ =	swait.ge [sflag:s28], $0x2000  }
0x4b: {  	[sflag:s28] =	ssyncset.done $0x0  }
0x4c: {  	s24 =	sadd.s32 s4, s12;
	[sflag:s28] =	ssyncadd.s32 $0xFFFFE000  }
0x4d: {  	[spmem:s3] =	stream.indirect.scatter.add.f32 [tilespmem:s26], [sflag:$0x2], $0x40, s24, s25, $0xb8;
	[tilespmem:$0x1FF50] =	vst v63  }
0x4e: {  	_ =	swait.ge [sflag:s22], $0x2000  }
0x4f: {  	[sflag:s22] =	ssyncset.done $0x0  }
0x50: {  	[sflag:s22] =	ssyncadd.s32 $0xFFFFE000  }
0x51: {  	v7 =	vld [tilespmem:s4+$0x2780];
	_ =	sdelay $0x7  }
0x52: {  	[tilespmem:v7+s23+$0x0] =	vst.idx.add.f32.msk $0xffff, v6  }
0x53: {  	v7 =	vld [tilespmem:s4+$0x2790];
	_ =	sdelay $0x7  }
0x54: {  	[tilespmem:v7+s23+$0x0] =	vst.idx.add.f32.msk $0xffff, v6  }
0x55: {  	v7 =	vld [tilespmem:s4+$0x27A0];
	_ =	sdelay $0x7  }
0x56: {  	[tilespmem:v7+s23+$0x0] =	vst.idx.add.f32.msk $0xffff, v6  }
0x57: {  	v7 =	vld [tilespmem:s4+$0x27B0];
	_ =	sdelay $0x7  }
0x58: {  	[tilespmem:v7+s23+$0x0] =	vst.idx.add.f32.msk $0xffff, v6  }
0x59: {  	v7 =	vld [tilespmem:s4+$0x27C0];
	_ =	sdelay $0x7  }
0x5a: {  	[tilespmem:v7+s23+$0x0] =	vst.idx.add.f32.msk $0xffff, v6  }
0x5b: {  	v7 =	vld [tilespmem:s4+$0x27D0];
	_ =	sdelay $0x7  }
0x5c: {  	[tilespmem:v7+s23+$0x0] =	vst.idx.add.f32.msk $0xffff, v6  }
0x5d: {  	v7 =	vld [tilespmem:s4+$0x27E0];
	_ =	sdelay $0x7  }
0x5e: {  	[tilespmem:v7+s23+$0x0] =	vst.idx.add.f32.msk $0xffff, v6  }
0x5f: {  	v7 =	vld [tilespmem:s4+$0x27F0];
	_ =	sdelay $0x7  }
0x60: {  	[tilespmem:v7+s23+$0x0] =	vst.idx.add.f32.msk $0xffff, v6  }
0x61: {  	v7 =	vld [tilespmem:s4+$0x4F00];
	_ =	sdelay $0x7  }
0x62: {  	[tilespmem:v7+s23+$0x0] =	vst.idx.add.f32.msk $0xffff, v6  }
0x63: {  	v7 =	vld [tilespmem:s4+$0x4F10];
	_ =	sdelay $0x7  }
0x64: {  	[tilespmem:v7+s23+$0x0] =	vst.idx.add.f32.msk $0xffff, v6  }
0x65: {  	v7 =	vld [tilespmem:s4+$0x4F20];
	_ =	sdelay $0x7  }
0x66: {  	[tilespmem:v7+s23+$0x0] =	vst.idx.add.f32.msk $0xffff, v6  }
0x67: {  	v7 =	vld [tilespmem:s4+$0x4F30];
	_ =	sdelay $0x7  }
0x68: {  	[tilespmem:v7+s23+$0x0] =	vst.idx.add.f32.msk $0xffff, v6  }
0x69: {  	v7 =	vld [tilespmem:s4+$0x4F40];
	_ =	sdelay $0x7  }
0x6a: {  	[tilespmem:v7+s23+$0x0] =	vst.idx.add.f32.msk $0xffff, v6  }
0x6b: {  	v7 =	vld [tilespmem:s4+$0x4F50];
	_ =	sdelay $0x7  }
0x6c: {  	[tilespmem:v7+s23+$0x0] =	vst.idx.add.f32.msk $0xffff, v6  }
0x6d: {  	v7 =	vld [tilespmem:s4+$0x4F60];
	_ =	sdelay $0x7  }
0x6e: {  	[tilespmem:v7+s23+$0x0] =	vst.idx.add.f32.msk $0xffff, v6  }
0x6f: {  	v7 =	vld [tilespmem:s4+$0x4F70];
	_ =	sdelay $0x2  }
0x70: {  	p0 =	sne.s32 s5, $0x9C00  }
.Ltmp2:
0x71: {  	_ = 	snop;
	(pc) =	sbr.rel @p0 .LBB2_6-.Ltmp2, $2  }
0x72: {  	_ =	sdelay $0x2  }
0x73: {  	s5 =	sadd.s32 $0x200, s5;
	[tilespmem:v7+s23+$0x0] =	vst.idx.add.f32.msk $0xffff, v6  }
0x74: {  	s4 =	rddreg [dreg:$0x3];
	s5 =	simm.s32 $0x50  }
0x75: {  	[spmem:s4] =	stream.indirect.scatter.add.f32 [tilespmem:s23], [sflag:$0x2], $0x80, s30, s5, $0xb8;
	[tilespmem:$0x1FF50] =	vst v63  }
0x76: {  	_ =	swait.ge [sflag:s22], $0x2800  }
0x77: {  	[sflag:s22] =	ssyncset.done $0x0  }
0x78: {  	s29 =	sadd.s32 $0x0, s15;
	[sflag:s22] =	ssyncadd.s32 $0xFFFFD800  }
0x79: {  	v7 =	vmov s29;
	s4 =	sand.u32 $0xFFFFFF80, s29;
	[bflag:$0x0] =	sbarrier.arrive $0xFFFF  }
0x7a: {  	v7 =	vand.u32 $0x7F, v7;
	[tilespmem:s31], [sflag:$0x2] =	stream.linear.gather [spmem:s13], $0x300, $0x38;
	[tilespmem:$0x1FF50] =	vst v63  }
0x7b: {  	v7 =	vor.u32 s4, v7;
	_ =	swait.ge [sflag:s22], $0x300  }
0x7c: {  	v7 =	vbroadcast v7, $0x0;
	[sflag:s22] =	ssyncset.done $0x0  }
0x7d: {  	[sflag:s22] =	ssyncadd.s32 $0xFFFFFD00  }
0x7e: {  	[tilespmem:s2], [sflag:$0x2] =	stream.linear.gather [spmem:s7], $0x4EC0, $0x38;
	[tilespmem:$0x1FF50] =	vst v63  }
0x7f: {  	_ =	swait.ge [sflag:s22], $0x4EC0  }
0x80: {  	[sflag:s22] =	ssyncset.done $0x0  }
0x81: {  	[sflag:s22] =	ssyncadd.s32 $0xFFFFB140  }
0x82: {  	v9 =	vld.idx.msk [tilespmem:v7+s31+$0x0], $0xffff;
	_ =	sdelay $0x4  }
0x83: {  	v10 =	vmax.f32 v9, $1.000000000e+00  }
0x84: {  	(erf) = vrcp.f32 v10;
	_ =	sdelay $0x1  }
0x85: {  	s5 =	simm.s32 $0x96A0  }
0x86: {  	v8 =	vld [tilespmem:s5+$0xFFFFFFF0]  }
0x87: {  	v7 =	vld [tilespmem:s5+$0x10]  }
0x88: {  	s24 =	sadd.s32 $0x1, s15;
	v9 =	vld [tilespmem:s5+$0xFFFFFFE0]  }
0x89: {  	v11 =	vmov s24;
	s4 =	simm.s32 $0x2;
	v10 =	vld [tilespmem:s5+$0x0]  }
.LBB2_8:
0x8a: {  	p0 =	sne.s32 s4, $0x13A;
	s24 =	sand.u32 $0xFFFFFF80, s24;
	v11 =	vand.u32 $0x7F, v11  }
0x8b: {  	v11 =	vor.u32 s24, v11  }
0x8c: {  	v11 =	vbroadcast v11, $0x0;
	v12 =	vpop (erf)  }
0x8d: {  	v9 =	vmul.f32 v12, v9;
	v8 =	vmul.f32 v8, v12  }
0x8e: {  	v7 =	vmul.f32 v7, v12;
	v10 =	vmul.f32 v10, v12  }
0x8f: {  	[tilespmem:s5+$0xFFFFFFE0] =	vst v9  }
0x90: {  	[tilespmem:s5+$0xFFFFFFF0] =	vst v8  }
0x91: {  	[tilespmem:s5+$0x0] =	vst v10  }
0x92: {  	[tilespmem:s5+$0x10] =	vst v7  }
0x93: {  	v7 =	vld.idx.msk [tilespmem:v11+s31+$0x0], $0xffff;
	_ =	sdelay $0x5  }
0x94: {  	v7 =	vmax.f32 v7, $1.000000000e+00  }
0x95: {  	(erf) = vrcp.f32 v7;
	_ =	sdelay $0x1  }
.Ltmp3:
0x96: {  	s5 =	sadd.s32 $0x40, s5;
	(pc) =	sbr.rel @p0 .LBB2_8-.Ltmp3, $4  }
0x97: {  	v8 =	vld [tilespmem:s5+$0xFFFFFFF0]  }
0x98: {  	v7 =	vld [tilespmem:s5+$0x10]  }
0x99: {  	s24 =	sadd.s32 s4, s15;
	v9 =	vld [tilespmem:s5+$0xFFFFFFE0]  }
0x9a: {  	s4 =	sadd.s32 $0x1, s4;
	v11 =	vmov s24;
	v10 =	vld [tilespmem:s5+$0x0]  }
0x9b: {  	_ = 	snop  }
0x9c: {  	s4 =	sand.u32 $0xFFFFFF80, s24;
	v11 =	vand.u32 $0x7F, v11  }
0x9d: {  	v11 =	vor.u32 s4, v11;
	v12 =	vpop (erf)  }
0x9e: {  	v11 =	vbroadcast v11, $0x0;
	v9 =	vmul.f32 v12, v9  }
0x9f: {  	v8 =	vmul.f32 v8, v12  }
0xa0: {  	v7 =	vmul.f32 v7, v12;
	[tilespmem:s5+$0xFFFFFFE0] =	vst v9  }
0xa1: {  	v10 =	vmul.f32 v10, v12;
	[tilespmem:s5+$0xFFFFFFF0] =	vst v8  }
0xa2: {  	[tilespmem:s5+$0x10] =	vst v7  }
0xa3: {  	[tilespmem:s5+$0x0] =	vst v10  }
0xa4: {  	v7 =	vld.idx.msk [tilespmem:v11+s31+$0x0], $0xffff;
	_ =	sdelay $0x4  }
0xa5: {  	v7 =	vmax.f32 v7, $1.000000000e+00  }
0xa6: {  	(erf) = vrcp.f32 v7;
	_ =	sdelay $0x3  }
0xa7: {  	s29 =	sadd.s32 $0x40, s5  }
0xa8: {  	v7 =	vld [tilespmem:s29+$0xFFFFFFE0]  }
0xa9: {  	v8 =	vld [tilespmem:s29+$0xFFFFFFF0]  }
0xaa: {  	v9 =	vld [tilespmem:s29+$0x0]  }
0xab: {  	v10 =	vld [tilespmem:s29+$0x10]  }
0xac: {  	v11 =	vpop (erf)  }
0xad: {  	v7 =	vmul.f32 v11, v7  }
0xae: {  	v8 =	vmul.f32 v8, v11  }
0xaf: {  	v9 =	vmul.f32 v9, v11;
	[tilespmem:s29+$0xFFFFFFE0] =	vst v7  }
0xb0: {  	v7 =	vmul.f32 v10, v11;
	[tilespmem:s29+$0xFFFFFFF0] =	vst v8  }
0xb1: {  	s24 =	sadd.s32 $0x0, s20;
	[tilespmem:s29+$0x0] =	vst v9  }
0xb2: {  	s5 =	simm.s32 $0x0;
	[tilespmem:s29+$0x10] =	vst v7;
	v7 =	vmov s24;
	s29 =	sand.u32 $0xFFFFFF80, s24  }
0xb3: {  	[hbm4b:s14+s5] =	stream.linear.scatter [tilespmem:s2], [sflag:$0x2], $0x4EC0, $0x38;
	v7 =	vand.u32 $0x7F, v7;
	[tilespmem:$0x1FF50] =	vst v63  }
0xb4: {  	_ =	swait.ge [sflag:s22], $0x4EC0;
	v7 =	vor.u32 s29, v7  }
0xb5: {  	[sflag:s22] =	ssyncset.done $0x0;
	v7 =	vbroadcast v7, $0x0  }
0xb6: {  	[sflag:s22] =	ssyncadd.s32 $0xFFFFB140  }
0xb7: {  	[tilespmem:s2], [sflag:$0x2] =	stream.linear.gather [spmem:s8], $0x4EC0, $0x38;
	[tilespmem:$0x1FF50] =	vst v63  }
0xb8: {  	_ =	swait.ge [sflag:s22], $0x4EC0  }
0xb9: {  	[sflag:s22] =	ssyncset.done $0x0  }
0xba: {  	[sflag:s22] =	ssyncadd.s32 $0xFFFFB140  }
0xbb: {  	v9 =	vld.idx.msk [tilespmem:v7+s31+$0x0], $0xffff;
	_ =	sdelay $0x4  }
0xbc: {  	v10 =	vmax.f32 v9, $1.000000000e+00  }
0xbd: {  	(erf) = vrcp.f32 v10;
	_ =	sdelay $0x1  }
0xbe: {  	s5 =	simm.s32 $0x96A0  }
0xbf: {  	v8 =	vld [tilespmem:s5+$0xFFFFFFF0]  }
0xc0: {  	v7 =	vld [tilespmem:s5+$0x10]  }
0xc1: {  	s24 =	sadd.s32 $0x1, s20;
	v9 =	vld [tilespmem:s5+$0xFFFFFFE0]  }
0xc2: {  	s4 =	simm.s32 $0x2;
	v11 =	vmov s24;
	v10 =	vld [tilespmem:s5+$0x0]  }
.LBB2_10:
0xc3: {  	p0 =	sne.s32 s4, $0x13A;
	s24 =	sand.u32 $0xFFFFFF80, s24;
	v11 =	vand.u32 $0x7F, v11  }
0xc4: {  	v11 =	vor.u32 s24, v11  }
0xc5: {  	v11 =	vbroadcast v11, $0x0;
	v12 =	vpop (erf)  }
0xc6: {  	v9 =	vmul.f32 v12, v9;
	v8 =	vmul.f32 v8, v12  }
0xc7: {  	v7 =	vmul.f32 v7, v12;
	v10 =	vmul.f32 v10, v12  }
0xc8: {  	[tilespmem:s5+$0xFFFFFFE0] =	vst v9  }
0xc9: {  	[tilespmem:s5+$0xFFFFFFF0] =	vst v8  }
0xca: {  	[tilespmem:s5+$0x0] =	vst v10  }
0xcb: {  	[tilespmem:s5+$0x10] =	vst v7  }
0xcc: {  	v7 =	vld.idx.msk [tilespmem:v11+s31+$0x0], $0xffff;
	_ =	sdelay $0x5  }
0xcd: {  	v7 =	vmax.f32 v7, $1.000000000e+00  }
0xce: {  	(erf) = vrcp.f32 v7;
	_ =	sdelay $0x1  }
.Ltmp4:
0xcf: {  	s5 =	sadd.s32 $0x40, s5;
	(pc) =	sbr.rel @p0 .LBB2_10-.Ltmp4, $4  }
0xd0: {  	v8 =	vld [tilespmem:s5+$0xFFFFFFF0]  }
0xd1: {  	v7 =	vld [tilespmem:s5+$0x10]  }
0xd2: {  	s24 =	sadd.s32 s4, s20;
	v9 =	vld [tilespmem:s5+$0xFFFFFFE0]  }
0xd3: {  	s4 =	sadd.s32 $0x1, s4;
	v11 =	vmov s24;
	v10 =	vld [tilespmem:s5+$0x0]  }
0xd4: {  	_ = 	snop  }
0xd5: {  	s4 =	sand.u32 $0xFFFFFF80, s24;
	v11 =	vand.u32 $0x7F, v11  }
0xd6: {  	v11 =	vor.u32 s4, v11;
	v12 =	vpop (erf)  }
0xd7: {  	v11 =	vbroadcast v11, $0x0;
	v9 =	vmul.f32 v12, v9  }
0xd8: {  	v8 =	vmul.f32 v8, v12  }
0xd9: {  	v7 =	vmul.f32 v7, v12;
	[tilespmem:s5+$0xFFFFFFE0] =	vst v9  }
0xda: {  	v10 =	vmul.f32 v10, v12;
	[tilespmem:s5+$0xFFFFFFF0] =	vst v8  }
0xdb: {  	[tilespmem:s5+$0x10] =	vst v7  }
0xdc: {  	[tilespmem:s5+$0x0] =	vst v10  }
0xdd: {  	v7 =	vld.idx.msk [tilespmem:v11+s31+$0x0], $0xffff;
	_ =	sdelay $0x4  }
0xde: {  	v7 =	vmax.f32 v7, $1.000000000e+00  }
0xdf: {  	(erf) = vrcp.f32 v7;
	_ =	sdelay $0x3  }
0xe0: {  	s29 =	sadd.s32 $0x40, s5  }
0xe1: {  	v7 =	vld [tilespmem:s29+$0xFFFFFFE0]  }
0xe2: {  	v8 =	vld [tilespmem:s29+$0xFFFFFFF0]  }
0xe3: {  	v9 =	vld [tilespmem:s29+$0x0]  }
0xe4: {  	v10 =	vld [tilespmem:s29+$0x10]  }
0xe5: {  	v63 =	vpop (erf)  }
0xe6: {  	v7 =	vmul.f32 v63, v7  }
0xe7: {  	v8 =	vmul.f32 v8, v63  }
0xe8: {  	v9 =	vmul.f32 v9, v63;
	[tilespmem:s29+$0xFFFFFFE0] =	vst v7  }
0xe9: {  	v7 =	vmul.f32 v10, v63;
	[tilespmem:s29+$0xFFFFFFF0] =	vst v8  }
0xea: {  	[tilespmem:s29+$0x0] =	vst v9  }
0xeb: {  	s5 =	simm.s32 $0x0;
	[tilespmem:s29+$0x10] =	vst v7  }
0xec: {  	[hbm4b:s16+s5] =	stream.linear.scatter [tilespmem:s2], [sflag:$0x2], $0x4EC0, $0x38;
	[tilespmem:$0x1FF50] =	vst v63  }
0xed: {  	_ =	swait.ge [sflag:s22], $0x4EC0  }
0xee: {  	[sflag:s22] =	ssyncset.done $0x0  }
0xef: {  	[sflag:s22] =	ssyncadd.s32 $0xFFFFB140  }
0xf0: {  	[spmem:s7] =	stream.linear.scatter [tilespmem:s21], [sflag:$0x2], $0x4EC0, $0x38;
	[tilespmem:$0x1FF50] =	vst v63  }
0xf1: {  	_ =	swait.ge [sflag:s22], $0x4EC0  }
0xf2: {  	[sflag:s22] =	ssyncset.done $0x0  }
0xf3: {  	[sflag:s22] =	ssyncadd.s32 $0xFFFFB140  }
0xf4: {  	[spmem:s8] =	stream.linear.scatter [tilespmem:s21], [sflag:$0x2], $0x4EC0, $0x38;
	[tilespmem:$0x1FF50] =	vst v63  }
0xf5: {  	_ =	swait.ge [sflag:s22], $0x4EC0  }
0xf6: {  	[sflag:s22] =	ssyncset.done $0x0  }
0xf7: {  	[sflag:s22] =	ssyncadd.s32 $0xFFFFB140  }
0xf8: {  	s24 =	simm.s32 $0x0;
	[bflag:$0x0] =	sbarrier.arrive $0xFFFF  }
0xf9: {  	[tilespmem:s26], [sflag:$0x1] =	stream.indirect.gather [hbm4b:s6+s25], $0x40, s24, s25, $0xb8;
	[tilespmem:$0x1FF50] =	vst v63  }
0xfa: {  	_ =	swait.ge [sflag:s28], $0x2000  }
0xfb: {  	[sflag:s28] =	ssyncset.done $0x0  }
0xfc: {  	s29 =	sadd.s32 $0x0, s12;
	[sflag:s28] =	ssyncadd.s32 $0xFFFFE000  }
0xfd: {  	[spmem:s3] =	stream.indirect.scatter.add.f32 [tilespmem:s26], [sflag:$0x2], $0x40, s29, s25, $0xb8;
	[tilespmem:$0x1FF50] =	vst v63  }
0xfe: {  	_ =	swait.ge [sflag:s22], $0x2000  }
0xff: {  	s4 =	simm.s32 $0x200;
	s5 =	simm.s32 $0x400;
	[sflag:s22] =	ssyncset.done $0x0  }
.LBB2_12:
0x100: {  	s24 =	sshra.s32 s4, $0x2  }
0x101: {  	[sflag:s22] =	ssyncadd.s32 $0xFFFFE000;
	s4 =	smov.u32 s5;
	s29 =	sadd.s32 $0x200, s5  }
0x102: {  	[tilespmem:s26], [sflag:$0x1] =	stream.indirect.gather [hbm4b:s6+s25], $0x40, s24, s25, $0xb8;
	[tilespmem:$0x1FF50] =	vst v63  }
0x103: {  	p0 =	sne.s32 s5, $0x9C00;
	_ =	swait.ge [sflag:s28], $0x2000  }
.Ltmp5:
0x104: {  	[sflag:s28] =	ssyncset.done $0x0;
	(pc) =	sbr.rel @p0 .LBB2_12-.Ltmp5, $4  }
0x105: {  	s5 =	sadd.s32 s24, s12;
	[sflag:s28] =	ssyncadd.s32 $0xFFFFE000  }
0x106: {  	[spmem:s3] =	stream.indirect.scatter.add.f32 [tilespmem:s26], [sflag:$0x2], $0x40, s5, s25, $0xb8;
	[tilespmem:$0x1FF50] =	vst v63  }
0x107: {  	_ =	swait.ge [sflag:s22], $0x2000  }
0x108: {  	s5 =	smov.u32 s29;
	[sflag:s22] =	ssyncset.done $0x0  }
0x109: {  	s4 =	sshra.s32 s4, $0x2;
	[sflag:s22] =	ssyncadd.s32 $0xFFFFE000  }
0x10a: {  	[tilespmem:s26], [sflag:$0x1] =	stream.indirect.gather [hbm4b:s6+s25], $0x40, s4, s25, $0xb8;
	[tilespmem:$0x1FF50] =	vst v63  }
0x10b: {  	_ =	swait.ge [sflag:s28], $0x2000  }
0x10c: {  	[sflag:s28] =	ssyncset.done $0x0  }
0x10d: {  	s5 =	sadd.s32 $0x0, s15;
	s4 =	sadd.s32 s4, s12;
	[sflag:s28] =	ssyncadd.s32 $0xFFFFE000  }
0x10e: {  	v7 =	vmov s5;
	[spmem:s3] =	stream.indirect.scatter.add.f32 [tilespmem:s26], [sflag:$0x2], $0x40, s4, s25, $0xb8;
	[tilespmem:$0x1FF50] =	vst v63  }
0x10f: {  	s29 =	sand.u32 $0xFFFFFF80, s5;
	v7 =	vand.u32 $0x7F, v7;
	_ =	swait.ge [sflag:s22], $0x2000  }
0x110: {  	v7 =	vor.u32 s29, v7;
	[sflag:s22] =	ssyncset.done $0x0  }
0x111: {  	v7 =	vbroadcast v7, $0x0;
	[sflag:s22] =	ssyncadd.s32 $0xFFFFE000  }
0x112: {  	[bflag:$0x0] =	sbarrier.arrive $0xFFFF  }
0x113: {  	[tilespmem:s2], [sflag:$0x2] =	stream.linear.gather [spmem:s7], $0x4EC0, $0x38;
	[tilespmem:$0x1FF50] =	vst v63  }
0x114: {  	_ =	swait.ge [sflag:s22], $0x4EC0  }
0x115: {  	[sflag:s22] =	ssyncset.done $0x0  }
0x116: {  	[sflag:s22] =	ssyncadd.s32 $0xFFFFB140  }
0x117: {  	v9 =	vld.idx.msk [tilespmem:v7+s31+$0x0], $0xffff;
	_ =	sdelay $0x4  }
0x118: {  	v10 =	vmax.f32 v9, $1.000000000e+00  }
0x119: {  	(erf) = vrcp.f32 v10;
	_ =	sdelay $0x1  }
0x11a: {  	s5 =	simm.s32 $0x96A0  }
0x11b: {  	v8 =	vld [tilespmem:s5+$0xFFFFFFF0]  }
0x11c: {  	v7 =	vld [tilespmem:s5+$0x10]  }
0x11d: {  	s24 =	sadd.s32 $0x1, s15;
	v9 =	vld [tilespmem:s5+$0xFFFFFFE0]  }
0x11e: {  	v11 =	vmov s24;
	s4 =	simm.s32 $0x2;
	v10 =	vld [tilespmem:s5+$0x0]  }
.LBB2_14:
0x11f: {  	p0 =	sne.s32 s4, $0x13A;
	s24 =	sand.u32 $0xFFFFFF80, s24;
	v11 =	vand.u32 $0x7F, v11  }
0x120: {  	v11 =	vor.u32 s24, v11  }
0x121: {  	v11 =	vbroadcast v11, $0x0;
	v12 =	vpop (erf)  }
0x122: {  	v9 =	vmul.f32 v12, v9;
	v8 =	vmul.f32 v8, v12  }
0x123: {  	v7 =	vmul.f32 v7, v12;
	v10 =	vmul.f32 v10, v12  }
0x124: {  	[tilespmem:s5+$0xFFFFFFE0] =	vst v9  }
0x125: {  	[tilespmem:s5+$0xFFFFFFF0] =	vst v8  }
0x126: {  	[tilespmem:s5+$0x0] =	vst v10  }
0x127: {  	[tilespmem:s5+$0x10] =	vst v7  }
0x128: {  	v7 =	vld.idx.msk [tilespmem:v11+s31+$0x0], $0xffff;
	_ =	sdelay $0x5  }
0x129: {  	v7 =	vmax.f32 v7, $1.000000000e+00  }
0x12a: {  	(erf) = vrcp.f32 v7;
	_ =	sdelay $0x1  }
.Ltmp6:
0x12b: {  	s5 =	sadd.s32 $0x40, s5;
	(pc) =	sbr.rel @p0 .LBB2_14-.Ltmp6, $4  }
0x12c: {  	v8 =	vld [tilespmem:s5+$0xFFFFFFF0]  }
0x12d: {  	v7 =	vld [tilespmem:s5+$0x10]  }
0x12e: {  	s24 =	sadd.s32 s4, s15;
	v9 =	vld [tilespmem:s5+$0xFFFFFFE0]  }
0x12f: {  	s4 =	sadd.s32 $0x1, s4;
	v11 =	vmov s24;
	v10 =	vld [tilespmem:s5+$0x0]  }
0x130: {  	_ = 	snop  }
0x131: {  	s4 =	sand.u32 $0xFFFFFF80, s24;
	v11 =	vand.u32 $0x7F, v11  }
0x132: {  	v11 =	vor.u32 s4, v11;
	v12 =	vpop (erf)  }
0x133: {  	v11 =	vbroadcast v11, $0x0;
	v9 =	vmul.f32 v12, v9  }
0x134: {  	v8 =	vmul.f32 v8, v12  }
0x135: {  	v7 =	vmul.f32 v7, v12;
	[tilespmem:s5+$0xFFFFFFE0] =	vst v9  }
0x136: {  	v10 =	vmul.f32 v10, v12;
	[tilespmem:s5+$0xFFFFFFF0] =	vst v8  }
0x137: {  	[tilespmem:s5+$0x10] =	vst v7  }
0x138: {  	[tilespmem:s5+$0x0] =	vst v10  }
0x139: {  	v7 =	vld.idx.msk [tilespmem:v11+s31+$0x0], $0xffff;
	_ =	sdelay $0x4  }
0x13a: {  	v7 =	vmax.f32 v7, $1.000000000e+00  }
0x13b: {  	(erf) = vrcp.f32 v7;
	_ =	sdelay $0x3  }
0x13c: {  	s29 =	sadd.s32 $0x40, s5  }
0x13d: {  	v7 =	vld [tilespmem:s29+$0xFFFFFFE0]  }
0x13e: {  	v8 =	vld [tilespmem:s29+$0xFFFFFFF0]  }
0x13f: {  	v9 =	vld [tilespmem:s29+$0x0]  }
0x140: {  	v10 =	vld [tilespmem:s29+$0x10]  }
0x141: {  	v11 =	vpop (erf)  }
0x142: {  	v7 =	vmul.f32 v11, v7  }
0x143: {  	v8 =	vmul.f32 v8, v11  }
0x144: {  	v9 =	vmul.f32 v9, v11;
	[tilespmem:s29+$0xFFFFFFE0] =	vst v7  }
0x145: {  	v7 =	vmul.f32 v10, v11;
	[tilespmem:s29+$0xFFFFFFF0] =	vst v8  }
0x146: {  	s24 =	sadd.s32 $0x0, s20;
	[tilespmem:s29+$0x0] =	vst v9  }
0x147: {  	s5 =	simm.s32 $0x0;
	[tilespmem:s29+$0x10] =	vst v7;
	v7 =	vmov s24;
	s29 =	sand.u32 $0xFFFFFF80, s24  }
0x148: {  	[hbm4b:s17+s5] =	stream.linear.scatter [tilespmem:s2], [sflag:$0x2], $0x4EC0, $0x38;
	v7 =	vand.u32 $0x7F, v7;
	[tilespmem:$0x1FF50] =	vst v63  }
0x149: {  	_ =	swait.ge [sflag:s22], $0x4EC0;
	v7 =	vor.u32 s29, v7  }
0x14a: {  	[sflag:s22] =	ssyncset.done $0x0;
	v7 =	vbroadcast v7, $0x0  }
0x14b: {  	[sflag:s22] =	ssyncadd.s32 $0xFFFFB140  }
0x14c: {  	[tilespmem:s2], [sflag:$0x2] =	stream.linear.gather [spmem:s8], $0x4EC0, $0x38;
	[tilespmem:$0x1FF50] =	vst v63  }
0x14d: {  	_ =	swait.ge [sflag:s22], $0x4EC0  }
0x14e: {  	[sflag:s22] =	ssyncset.done $0x0  }
0x14f: {  	[sflag:s22] =	ssyncadd.s32 $0xFFFFB140  }
0x150: {  	v9 =	vld.idx.msk [tilespmem:v7+s31+$0x0], $0xffff;
	_ =	sdelay $0x4  }
0x151: {  	v10 =	vmax.f32 v9, $1.000000000e+00  }
0x152: {  	(erf) = vrcp.f32 v10;
	_ =	sdelay $0x1  }
0x153: {  	s5 =	simm.s32 $0x96A0  }
0x154: {  	v8 =	vld [tilespmem:s5+$0xFFFFFFF0]  }
0x155: {  	v7 =	vld [tilespmem:s5+$0x10]  }
0x156: {  	s24 =	sadd.s32 $0x1, s20;
	v9 =	vld [tilespmem:s5+$0xFFFFFFE0]  }
0x157: {  	s4 =	simm.s32 $0x2;
	v11 =	vmov s24;
	v10 =	vld [tilespmem:s5+$0x0]  }
.LBB2_16:
0x158: {  	p0 =	sne.s32 s4, $0x13A;
	s24 =	sand.u32 $0xFFFFFF80, s24;
	v11 =	vand.u32 $0x7F, v11  }
0x159: {  	v11 =	vor.u32 s24, v11  }
0x15a: {  	v11 =	vbroadcast v11, $0x0;
	v12 =	vpop (erf)  }
0x15b: {  	v9 =	vmul.f32 v12, v9;
	v8 =	vmul.f32 v8, v12  }
0x15c: {  	v7 =	vmul.f32 v7, v12;
	v10 =	vmul.f32 v10, v12  }
0x15d: {  	[tilespmem:s5+$0xFFFFFFE0] =	vst v9  }
0x15e: {  	[tilespmem:s5+$0xFFFFFFF0] =	vst v8  }
0x15f: {  	[tilespmem:s5+$0x0] =	vst v10  }
0x160: {  	[tilespmem:s5+$0x10] =	vst v7  }
0x161: {  	v7 =	vld.idx.msk [tilespmem:v11+s31+$0x0], $0xffff;
	_ =	sdelay $0x5  }
0x162: {  	v7 =	vmax.f32 v7, $1.000000000e+00  }
0x163: {  	(erf) = vrcp.f32 v7;
	_ =	sdelay $0x1  }
.Ltmp7:
0x164: {  	s5 =	sadd.s32 $0x40, s5;
	(pc) =	sbr.rel @p0 .LBB2_16-.Ltmp7, $4  }
0x165: {  	v8 =	vld [tilespmem:s5+$0xFFFFFFF0]  }
0x166: {  	v7 =	vld [tilespmem:s5+$0x10]  }
0x167: {  	s24 =	sadd.s32 s4, s20;
	v9 =	vld [tilespmem:s5+$0xFFFFFFE0]  }
0x168: {  	s4 =	sadd.s32 $0x1, s4;
	v11 =	vmov s24;
	v10 =	vld [tilespmem:s5+$0x0]  }
0x169: {  	_ = 	snop  }
0x16a: {  	s4 =	sand.u32 $0xFFFFFF80, s24;
	v11 =	vand.u32 $0x7F, v11  }
0x16b: {  	v11 =	vor.u32 s4, v11;
	v12 =	vpop (erf)  }
0x16c: {  	v11 =	vbroadcast v11, $0x0;
	v9 =	vmul.f32 v12, v9  }
0x16d: {  	v8 =	vmul.f32 v8, v12  }
0x16e: {  	v7 =	vmul.f32 v7, v12;
	[tilespmem:s5+$0xFFFFFFE0] =	vst v9  }
0x16f: {  	v10 =	vmul.f32 v10, v12;
	[tilespmem:s5+$0xFFFFFFF0] =	vst v8  }
0x170: {  	[tilespmem:s5+$0x10] =	vst v7  }
0x171: {  	[tilespmem:s5+$0x0] =	vst v10  }
0x172: {  	v7 =	vld.idx.msk [tilespmem:v11+s31+$0x0], $0xffff;
	_ =	sdelay $0x4  }
0x173: {  	v7 =	vmax.f32 v7, $1.000000000e+00  }
0x174: {  	(erf) = vrcp.f32 v7;
	_ =	sdelay $0x3  }
0x175: {  	s24 =	sadd.s32 $0x40, s5  }
0x176: {  	v7 =	vld [tilespmem:s24+$0xFFFFFFE0]  }
0x177: {  	v8 =	vld [tilespmem:s24+$0xFFFFFFF0]  }
0x178: {  	v9 =	vld [tilespmem:s24+$0x0]  }
0x179: {  	v10 =	vld [tilespmem:s24+$0x10]  }
0x17a: {  	v63 =	vpop (erf)  }
0x17b: {  	v7 =	vmul.f32 v63, v7  }
0x17c: {  	v8 =	vmul.f32 v8, v63  }
0x17d: {  	v9 =	vmul.f32 v9, v63;
	[tilespmem:s24+$0xFFFFFFE0] =	vst v7  }
0x17e: {  	s0 =	sadd.s32 $0x1, s0;
	v7 =	vmul.f32 v10, v63;
	[tilespmem:s24+$0xFFFFFFF0] =	vst v8  }
0x17f: {  	p0 =	sne.s32 s0, s19;
	[tilespmem:s24+$0x0] =	vst v9  }
.Ltmp8:
0x180: {  	s29 =	simm.s32 $0x0;
	[tilespmem:s24+$0x10] =	vst v7;
	(pc) =	sbr.rel @p0 .LBB2_1-.Ltmp8, $4  }
0x181: {  	[hbm4b:s18+s29] =	stream.linear.scatter [tilespmem:s2], [sflag:$0x2], $0x4EC0, $0x38;
	[tilespmem:$0x1FF50] =	vst v63  }
0x182: {  	_ =	swait.ge [sflag:s22], $0x4EC0  }
0x183: {  	[sflag:s22] =	ssyncset.done $0x0  }
0x184: {  	[sflag:s22] =	ssyncadd.s32 $0xFFFFB140  }
0x185: {  	_ =	sfence.sel $0x180000  }
0x186: {  	[bflag:$0x0] =	sbarrier.arrive $0xFFFF  }
0x187: {  	_ =	strace $0x90000047  }
0x188: {  	s0 =	stileid.u32;
	[bflag:$0x2] =	sbarrier.arrive $0xFFFF  }
0x189: {  	p0 =	sne.s32 s0, $0x0;
	s0 =	rddreg [dreg:$0x4]  }
0x18a: {  	s0 =	sadd.s32 @!p0 $0x100000, s0  }
0x18b: {  	[sflag:s0] =	ssyncadd.tile.s32 @!p0 $0x1;
	_ =	shalt  }
.Lfunc_end2:
_tile_overlayer_lowered:
.L_overlay_start_2:
0x18c: {  	(tag) =	ssettag $0x2  }
0x18d: {  	s0 =	rddreg [dreg:$0x0];
	s2 =	stileid.u32  }
0x18e: {  	s1 =	rddreg [dreg:$0x1];
	p0 =	sne.s32 s2, $0x0  }
0x18f: {  	s3 =	rddreg [dreg:$0x2];
	[bflag:$0x3] =	sbarrier.arrive $0xFFFF;
	s2 =	simm.s32 @!p0 $0x1C02  }
0x190: {  	[timem:s3], [sflag:s2] =	dma.local @!p0 [hbm:s0], s1  }
0x191: {  	s0 =	simm.s32 @!p0 $0x2  }
0x192: {  	_ =	swait.ge @!p0 [sflag:s0], s1  }
0x193: {  	s1 =	ssub.s32 @!p0 $0x0, s1;
	[sflag:s0] =	ssyncset.done @!p0 $0x0  }
0x194: {  	[sflag:s0] =	ssyncadd.s32 @!p0 s1  }
0x195: {  	[bflag:$0x3] =	sbarrier.arrive $0xFFFF  }
0x196: {  	_ =	shalt  }

</sc_bundles>
